<compile_context>
chip_gen: v7x
topology: tpu7x:2x2x1
jax: 0.10.2.dev20260603
libtpu: 0.0.44.dev20260713+nightly
codegen_flags: <defaults>
</compile_context>

<pallas_src>
import functools

import jax
import jax.numpy as jnp
from jax import lax
from jax.experimental import pallas as pl
from jax.experimental.pallas import tpu as pltpu
from jax.experimental.pallas import tpu_sc as plsc

NUM_NODES = 1000000
DIM = 64
BATCH = 16384
NC, NS, L = 2, 16, 16
NW = NC * NS
BPW = BATCH // NW
CHUNK = 128
NCHUNK = BPW // CHUNK

_mesh = plsc.VectorSubcoreMesh(
    core_axis_name="c", subcore_axis_name="s", num_cores=NC, num_subcores=NS)


@functools.partial(
    pl.kernel,
    out_type=jax.ShapeDtypeStruct((BATCH,), jnp.float32),
    mesh=_mesh,
    scratch_types=[
        pltpu.VMEM((NCHUNK, CHUNK), jnp.int32),
        pltpu.VMEM((NCHUNK, CHUNK), jnp.int32),
        pltpu.VMEM((BPW, DIM), jnp.float32),
        pltpu.VMEM((BPW, DIM), jnp.float32),
        pltpu.VMEM((BPW,), jnp.float32),
        pltpu.VMEM((L, L + 1), jnp.float32),
        pltpu.SemaphoreType.DMA,
    ],
    compiler_params=pltpu.CompilerParams(
        needs_layout_passes=False, use_tc_tiling_on_sc=False),
)
def _sc_dot(u_hbm, v_hbm, emb_hbm, ctx_hbm, out_hbm,
            iu_v, iv_v, e_v, c_v, prod_v, tr_v, sem):
    wid = lax.axis_index("s") * NC + lax.axis_index("c")
    row0 = wid * NCHUNK
    pltpu.sync_copy(u_hbm.at[pl.ds(row0, NCHUNK)], iu_v)
    pltpu.sync_copy(v_hbm.at[pl.ds(row0, NCHUNK)], iv_v)
    copies = []
    for j in range(NCHUNK):
        copies.append(pltpu.async_copy(
            emb_hbm.at[iu_v.at[j]], e_v.at[pl.ds(j * CHUNK, CHUNK)], sem))
        copies.append(pltpu.async_copy(
            ctx_hbm.at[iv_v.at[j]], c_v.at[pl.ds(j * CHUNK, CHUNK)], sem))
    for cp in copies:
        cp.wait()

    lane = lax.iota(jnp.int32, L)
    col_idx = [lane * 0 + j for j in range(L)]

    def grp_body(g, _):
        for i in range(L):
            r = g * L + i
            acc = e_v[r, pl.ds(0, L)] * c_v[r, pl.ds(0, L)]
            for k in range(1, DIM // L):
                acc = acc + e_v[r, pl.ds(k * L, L)] * c_v[r, pl.ds(k * L, L)]
            tr_v[i, pl.ds(0, L)] = acc
        tot = plsc.load_gather(tr_v, [lane, col_idx[0]])
        for j in range(1, L):
            tot = tot + plsc.load_gather(tr_v, [lane, col_idx[j]])
        prod_v[pl.ds(g * L, L)] = tot
        return 0

    lax.fori_loop(0, BPW // L, grp_body, 0)
    pltpu.sync_copy(prod_v, out_hbm.at[pl.ds(wid * BPW, BPW)])


def _loss_body(sign_ref, prod_ref, out_ref):
    x = sign_ref[...] * prod_ref[...]
    ls = jnp.minimum(x, 0.0) - jnp.log(1.0 + jnp.exp(-jnp.abs(x)))
    out_ref[...] = jnp.reshape(-jnp.sum(ls), (1, 1))


_loss = pl.pallas_call(
    _loss_body,
    out_shape=jax.ShapeDtypeStruct((1, 1), jnp.float32),
)


def kernel(u, v, sign, emb_table, ctx_table):
    u2 = u.reshape(BATCH // CHUNK, CHUNK)
    v2 = v.reshape(BATCH // CHUNK, CHUNK)
    prod = _sc_dot(u2, v2, emb_table, ctx_table)
    loss = _loss(sign.reshape(CHUNK, CHUNK), prod.reshape(CHUNK, CHUNK))
    return loss[0, 0]

# --- scband reference (transcript-rebuilt; emitter-appended) ---
"""Pipeline reference for scband-skip-gram-ns-54125177864647 (READ-ONLY COPY).

The authoritative reference and input builder live on the scoring server;
editing this copy changes nothing except your own understanding.
"""

import jax, jax.numpy as jnp
import numpy as np
from math import sqrt

NUM_NODES = 1000000
DIM = 64
BATCH = 16384

def setup_inputs(seed: int = 0) -> dict:
    key = jax.random.key(seed)
    k_u, k_v, k_s, k_e, k_c = jax.random.split(key, 5)
    u = jax.random.randint(k_u, (BATCH,), 0, NUM_NODES, dtype=jnp.int64 if jax.config.jax_enable_x64 else jnp.int32).astype(jnp.int32)
    v = jax.random.randint(k_v, (BATCH,), 0, NUM_NODES, dtype=jnp.int64 if jax.config.jax_enable_x64 else jnp.int32).astype(jnp.int32)
    sign = jax.random.normal(k_s, (BATCH,), dtype=jnp.float32)
    # learned parameters, initialized N(0, 1/sqrt(dim)) as in the torch module
    emb_table = jax.random.normal(k_e, (NUM_NODES, DIM), dtype=jnp.float32) * (1.0 / sqrt(DIM))
    ctx_table = jax.random.normal(k_c, (NUM_NODES, DIM), dtype=jnp.float32) * (1.0 / sqrt(DIM))
    return {"u": u, "v": v, "sign": sign, "emb_table": emb_table, "ctx_table": ctx_table}

def reference(u, v, sign, emb_table, ctx_table):
    emb_u = jnp.take(emb_table, u, axis=0)          # gather [B, D]
    ctx_v = jnp.take(ctx_table, v, axis=0)          # gather [B, D]
    prod = jnp.sum(emb_u * ctx_v, axis=1)           # [B]
    prod = sign * prod
    loss = jnp.sum(jax.nn.log_sigmoid(prod))
    loss = -loss
    return loss

if __name__ == "__main__":
    import jax
    _d = setup_inputs()
    print(jax.jit(kernel)(*tuple(_d.values())))

</pallas_src>

<mosaic_0001>
#map = affine_map<(d0, d1) -> (0, 0)>
#map1 = affine_map<(d0, d1) -> (0)>
module attributes {stable_mosaic.version = 14 : i64} {
  func.func @_sc_dot(%arg0: i32, %arg1: i32, %arg2: memref<128x128xi32, #tpu.memory_space<hbm>>, %arg3: memref<128x128xi32, #tpu.memory_space<hbm>>, %arg4: memref<1000000x64xf32, #tpu.memory_space<hbm>>, %arg5: memref<1000000x64xf32, #tpu.memory_space<hbm>>, %arg6: memref<16384xf32, #tpu.memory_space<hbm>>, %arg7: memref<4x128xi32, #tpu.memory_space<vmem>>, %arg8: memref<4x128xi32, #tpu.memory_space<vmem>>, %arg9: memref<512x64xf32, #tpu.memory_space<vmem>>, %arg10: memref<512x64xf32, #tpu.memory_space<vmem>>, %arg11: memref<512xf32, #tpu.memory_space<vmem>>, %arg12: memref<16x17xf32, #tpu.memory_space<vmem>>, %arg13: memref<!tpu.dma_semaphore, #tpu.memory_space<semaphore_mem>>) attributes {dimension_semantics = [#tpu.dimension_semantics<core_parallel>, #tpu.dimension_semantics<subcore_parallel>], iteration_bounds = array<i64: 2, 16>, scalar_prefetch = 0 : i64, scratch_operands = 7 : i64, tpu.core_type = #tpu.core_type<sc_vector_subcore>, window_params = [{transform_indices = #map}, {transform_indices = #map}, {transform_indices = #map}, {transform_indices = #map}, {transform_indices = #map1}]} {
    %mul3A = arith.constant 2 : i32
    %mul3A_0 = arith.muli %arg1, %mul3A : i32
    %add3A = arith.addi %mul3A_0, %arg0 : i32
    %mul3A_1 = arith.constant 4 : i32
    %mul3A_2 = arith.muli %add3A, %mul3A_1 : i32
    "tpu.region"() ({
      %run_scoped3A = tpu.sem_alloc : memref<!tpu.dma_semaphore, #tpu.memory_space<semaphore_mem>>
      %dma_start3A_265 = arith.constant 0 : i32
      %dma_start3A_266 = tpu.memref_slice %arg2[%mul3A_2, %dma_start3A_265] : memref<128x128xi32, #tpu.memory_space<hbm>> -> memref<4x128xi32, #tpu.memory_space<hbm>>
      %dma_start3A_267 = arith.constant 0 : i32
      %dma_start3A_268 = tpu.memref_slice %arg2[%mul3A_2, %dma_start3A_267] : memref<128x128xi32, #tpu.memory_space<hbm>> -> memref<4x128xi32, #tpu.memory_space<hbm>>
      tpu.enqueue_dma source(%dma_start3A_268 : memref<4x128xi32, #tpu.memory_space<hbm>>) target(%arg7 : memref<4x128xi32, #tpu.memory_space<vmem>>) target_semaphore(%run_scoped3A : memref<!tpu.dma_semaphore, #tpu.memory_space<semaphore_mem>>)
      %dma_wait3A_269 = arith.constant 0 : i32
      %dma_wait3A_270 = tpu.memref_slice %arg2[%mul3A_2, %dma_wait3A_269] : memref<128x128xi32, #tpu.memory_space<hbm>> -> memref<4x128xi32, #tpu.memory_space<hbm>>
      %dma_wait3A_271 = arith.constant 0 : i32
      %dma_wait3A_272 = tpu.memref_slice %arg2[%mul3A_2, %dma_wait3A_271] : memref<128x128xi32, #tpu.memory_space<hbm>> -> memref<4x128xi32, #tpu.memory_space<hbm>>
      tpu.wait_dma2 semaphore(%run_scoped3A : memref<!tpu.dma_semaphore, #tpu.memory_space<semaphore_mem>>) src(%dma_wait3A_272 : memref<4x128xi32, #tpu.memory_space<hbm>>) dst(%arg7 : memref<4x128xi32, #tpu.memory_space<vmem>>)
      tpu.yield
    }) : () -> ()
    "tpu.region"() ({
      %run_scoped3A = tpu.sem_alloc : memref<!tpu.dma_semaphore, #tpu.memory_space<semaphore_mem>>
      %dma_start3A_265 = arith.constant 0 : i32
      %dma_start3A_266 = tpu.memref_slice %arg3[%mul3A_2, %dma_start3A_265] : memref<128x128xi32, #tpu.memory_space<hbm>> -> memref<4x128xi32, #tpu.memory_space<hbm>>
      %dma_start3A_267 = arith.constant 0 : i32
      %dma_start3A_268 = tpu.memref_slice %arg3[%mul3A_2, %dma_start3A_267] : memref<128x128xi32, #tpu.memory_space<hbm>> -> memref<4x128xi32, #tpu.memory_space<hbm>>
      tpu.enqueue_dma source(%dma_start3A_268 : memref<4x128xi32, #tpu.memory_space<hbm>>) target(%arg8 : memref<4x128xi32, #tpu.memory_space<vmem>>) target_semaphore(%run_scoped3A : memref<!tpu.dma_semaphore, #tpu.memory_space<semaphore_mem>>)
      %dma_wait3A_269 = arith.constant 0 : i32
      %dma_wait3A_270 = tpu.memref_slice %arg3[%mul3A_2, %dma_wait3A_269] : memref<128x128xi32, #tpu.memory_space<hbm>> -> memref<4x128xi32, #tpu.memory_space<hbm>>
      %dma_wait3A_271 = arith.constant 0 : i32
      %dma_wait3A_272 = tpu.memref_slice %arg3[%mul3A_2, %dma_wait3A_271] : memref<128x128xi32, #tpu.memory_space<hbm>> -> memref<4x128xi32, #tpu.memory_space<hbm>>
      tpu.wait_dma2 semaphore(%run_scoped3A : memref<!tpu.dma_semaphore, #tpu.memory_space<semaphore_mem>>) src(%dma_wait3A_272 : memref<4x128xi32, #tpu.memory_space<hbm>>) dst(%arg8 : memref<4x128xi32, #tpu.memory_space<vmem>>)
      tpu.yield
    }) : () -> ()
    %dma_start3A = arith.constant 0 : i32
    %dma_start3A_3 = arith.constant 0 : i32
    %dma_start3A_4 = arith.constant 0 : i32
    %dma_start3A_5 = tpu.memref_slice %arg9[%dma_start3A_3, %dma_start3A_4] : memref<512x64xf32, #tpu.memory_space<vmem>> -> memref<128x64xf32, #tpu.memory_space<vmem>>
    %dma_start3A_6 = arith.constant 0 : i32
    %dma_start3A_7 = tpu.memref_slice %arg7[%dma_start3A, %dma_start3A_6] : memref<4x128xi32, #tpu.memory_space<vmem>> -> memref<1x128xi32, #tpu.memory_space<vmem>>
    %dma_start3A_8 = tpu.memref_squeeze %dma_start3A_7 : memref<1x128xi32, #tpu.memory_space<vmem>> -> memref<128xi32, #tpu.memory_space<vmem>>
    %dma_start3A_9 = arith.constant 0 : i32
    %dma_start3A_10 = arith.constant 0 : i32
    %dma_start3A_11 = tpu.memref_slice %arg4[%dma_start3A_9, %dma_start3A_10] : memref<1000000x64xf32, #tpu.memory_space<hbm>> -> memref<1000000x64xf32, #tpu.memory_space<hbm>>
    tpu.enqueue_indirect_dma source(%dma_start3A_11 : memref<1000000x64xf32, #tpu.memory_space<hbm>>) target(%dma_start3A_5 : memref<128x64xf32, #tpu.memory_space<vmem>>) offsets(%dma_start3A_8 : memref<128xi32, #tpu.memory_space<vmem>>) semaphore(%arg13 : memref<!tpu.dma_semaphore, #tpu.memory_space<semaphore_mem>>)
    %dma_start3A_12 = arith.constant 0 : i32
    %dma_start3A_13 = arith.constant 0 : i32
    %dma_start3A_14 = arith.constant 0 : i32
    %dma_start3A_15 = tpu.memref_slice %arg10[%dma_start3A_13, %dma_start3A_14] : memref<512x64xf32, #tpu.memory_space<vmem>> -> memref<128x64xf32, #tpu.memory_space<vmem>>
    %dma_start3A_16 = arith.constant 0 : i32
    %dma_start3A_17 = tpu.memref_slice %arg8[%dma_start3A_12, %dma_start3A_16] : memref<4x128xi32, #tpu.memory_space<vmem>> -> memref<1x128xi32, #tpu.memory_space<vmem>>
    %dma_start3A_18 = tpu.memref_squeeze %dma_start3A_17 : memref<1x128xi32, #tpu.memory_space<vmem>> -> memref<128xi32, #tpu.memory_space<vmem>>
    %dma_start3A_19 = arith.constant 0 : i32
    %dma_start3A_20 = arith.constant 0 : i32
    %dma_start3A_21 = tpu.memref_slice %arg5[%dma_start3A_19, %dma_start3A_20] : memref<1000000x64xf32, #tpu.memory_space<hbm>> -> memref<1000000x64xf32, #tpu.memory_space<hbm>>
    tpu.enqueue_indirect_dma source(%dma_start3A_21 : memref<1000000x64xf32, #tpu.memory_space<hbm>>) target(%dma_start3A_15 : memref<128x64xf32, #tpu.memory_space<vmem>>) offsets(%dma_start3A_18 : memref<128xi32, #tpu.memory_space<vmem>>) semaphore(%arg13 : memref<!tpu.dma_semaphore, #tpu.memory_space<semaphore_mem>>)
    %dma_start3A_22 = arith.constant 1 : i32
    %dma_start3A_23 = arith.constant 128 : i32
    %dma_start3A_24 = arith.constant 0 : i32
    %dma_start3A_25 = tpu.memref_slice %arg9[%dma_start3A_23, %dma_start3A_24] : memref<512x64xf32, #tpu.memory_space<vmem>> -> memref<128x64xf32, #tpu.memory_space<vmem>>
    %dma_start3A_26 = arith.constant 0 : i32
    %dma_start3A_27 = tpu.memref_slice %arg7[%dma_start3A_22, %dma_start3A_26] : memref<4x128xi32, #tpu.memory_space<vmem>> -> memref<1x128xi32, #tpu.memory_space<vmem>>
    %dma_start3A_28 = tpu.memref_squeeze %dma_start3A_27 : memref<1x128xi32, #tpu.memory_space<vmem>> -> memref<128xi32, #tpu.memory_space<vmem>>
    %dma_start3A_29 = arith.constant 0 : i32
    %dma_start3A_30 = arith.constant 0 : i32
    %dma_start3A_31 = tpu.memref_slice %arg4[%dma_start3A_29, %dma_start3A_30] : memref<1000000x64xf32, #tpu.memory_space<hbm>> -> memref<1000000x64xf32, #tpu.memory_space<hbm>>
    tpu.enqueue_indirect_dma source(%dma_start3A_31 : memref<1000000x64xf32, #tpu.memory_space<hbm>>) target(%dma_start3A_25 : memref<128x64xf32, #tpu.memory_space<vmem>>) offsets(%dma_start3A_28 : memref<128xi32, #tpu.memory_space<vmem>>) semaphore(%arg13 : memref<!tpu.dma_semaphore, #tpu.memory_space<semaphore_mem>>)
    %dma_start3A_32 = arith.constant 1 : i32
    %dma_start3A_33 = arith.constant 128 : i32
    %dma_start3A_34 = arith.constant 0 : i32
    %dma_start3A_35 = tpu.memref_slice %arg10[%dma_start3A_33, %dma_start3A_34] : memref<512x64xf32, #tpu.memory_space<vmem>> -> memref<128x64xf32, #tpu.memory_space<vmem>>
    %dma_start3A_36 = arith.constant 0 : i32
    %dma_start3A_37 = tpu.memref_slice %arg8[%dma_start3A_32, %dma_start3A_36] : memref<4x128xi32, #tpu.memory_space<vmem>> -> memref<1x128xi32, #tpu.memory_space<vmem>>
    %dma_start3A_38 = tpu.memref_squeeze %dma_start3A_37 : memref<1x128xi32, #tpu.memory_space<vmem>> -> memref<128xi32, #tpu.memory_space<vmem>>
    %dma_start3A_39 = arith.constant 0 : i32
    %dma_start3A_40 = arith.constant 0 : i32
    %dma_start3A_41 = tpu.memref_slice %arg5[%dma_start3A_39, %dma_start3A_40] : memref<1000000x64xf32, #tpu.memory_space<hbm>> -> memref<1000000x64xf32, #tpu.memory_space<hbm>>
    tpu.enqueue_indirect_dma source(%dma_start3A_41 : memref<1000000x64xf32, #tpu.memory_space<hbm>>) target(%dma_start3A_35 : memref<128x64xf32, #tpu.memory_space<vmem>>) offsets(%dma_start3A_38 : memref<128xi32, #tpu.memory_space<vmem>>) semaphore(%arg13 : memref<!tpu.dma_semaphore, #tpu.memory_space<semaphore_mem>>)
    %dma_start3A_42 = arith.constant 2 : i32
    %dma_start3A_43 = arith.constant 256 : i32
    %dma_start3A_44 = arith.constant 0 : i32
    %dma_start3A_45 = tpu.memref_slice %arg9[%dma_start3A_43, %dma_start3A_44] : memref<512x64xf32, #tpu.memory_space<vmem>> -> memref<128x64xf32, #tpu.memory_space<vmem>>
    %dma_start3A_46 = arith.constant 0 : i32
    %dma_start3A_47 = tpu.memref_slice %arg7[%dma_start3A_42, %dma_start3A_46] : memref<4x128xi32, #tpu.memory_space<vmem>> -> memref<1x128xi32, #tpu.memory_space<vmem>>
    %dma_start3A_48 = tpu.memref_squeeze %dma_start3A_47 : memref<1x128xi32, #tpu.memory_space<vmem>> -> memref<128xi32, #tpu.memory_space<vmem>>
    %dma_start3A_49 = arith.constant 0 : i32
    %dma_start3A_50 = arith.constant 0 : i32
    %dma_start3A_51 = tpu.memref_slice %arg4[%dma_start3A_49, %dma_start3A_50] : memref<1000000x64xf32, #tpu.memory_space<hbm>> -> memref<1000000x64xf32, #tpu.memory_space<hbm>>
    tpu.enqueue_indirect_dma source(%dma_start3A_51 : memref<1000000x64xf32, #tpu.memory_space<hbm>>) target(%dma_start3A_45 : memref<128x64xf32, #tpu.memory_space<vmem>>) offsets(%dma_start3A_48 : memref<128xi32, #tpu.memory_space<vmem>>) semaphore(%arg13 : memref<!tpu.dma_semaphore, #tpu.memory_space<semaphore_mem>>)
    %dma_start3A_52 = arith.constant 2 : i32
    %dma_start3A_53 = arith.constant 256 : i32
    %dma_start3A_54 = arith.constant 0 : i32
    %dma_start3A_55 = tpu.memref_slice %arg10[%dma_start3A_53, %dma_start3A_54] : memref<512x64xf32, #tpu.memory_space<vmem>> -> memref<128x64xf32, #tpu.memory_space<vmem>>
    %dma_start3A_56 = arith.constant 0 : i32
    %dma_start3A_57 = tpu.memref_slice %arg8[%dma_start3A_52, %dma_start3A_56] : memref<4x128xi32, #tpu.memory_space<vmem>> -> memref<1x128xi32, #tpu.memory_space<vmem>>
    %dma_start3A_58 = tpu.memref_squeeze %dma_start3A_57 : memref<1x128xi32, #tpu.memory_space<vmem>> -> memref<128xi32, #tpu.memory_space<vmem>>
    %dma_start3A_59 = arith.constant 0 : i32
    %dma_start3A_60 = arith.constant 0 : i32
    %dma_start3A_61 = tpu.memref_slice %arg5[%dma_start3A_59, %dma_start3A_60] : memref<1000000x64xf32, #tpu.memory_space<hbm>> -> memref<1000000x64xf32, #tpu.memory_space<hbm>>
    tpu.enqueue_indirect_dma source(%dma_start3A_61 : memref<1000000x64xf32, #tpu.memory_space<hbm>>) target(%dma_start3A_55 : memref<128x64xf32, #tpu.memory_space<vmem>>) offsets(%dma_start3A_58 : memref<128xi32, #tpu.memory_space<vmem>>) semaphore(%arg13 : memref<!tpu.dma_semaphore, #tpu.memory_space<semaphore_mem>>)
    %dma_start3A_62 = arith.constant 3 : i32
    %dma_start3A_63 = arith.constant 384 : i32
    %dma_start3A_64 = arith.constant 0 : i32
    %dma_start3A_65 = tpu.memref_slice %arg9[%dma_start3A_63, %dma_start3A_64] : memref<512x64xf32, #tpu.memory_space<vmem>> -> memref<128x64xf32, #tpu.memory_space<vmem>>
    %dma_start3A_66 = arith.constant 0 : i32
    %dma_start3A_67 = tpu.memref_slice %arg7[%dma_start3A_62, %dma_start3A_66] : memref<4x128xi32, #tpu.memory_space<vmem>> -> memref<1x128xi32, #tpu.memory_space<vmem>>
    %dma_start3A_68 = tpu.memref_squeeze %dma_start3A_67 : memref<1x128xi32, #tpu.memory_space<vmem>> -> memref<128xi32, #tpu.memory_space<vmem>>
    %dma_start3A_69 = arith.constant 0 : i32
    %dma_start3A_70 = arith.constant 0 : i32
    %dma_start3A_71 = tpu.memref_slice %arg4[%dma_start3A_69, %dma_start3A_70] : memref<1000000x64xf32, #tpu.memory_space<hbm>> -> memref<1000000x64xf32, #tpu.memory_space<hbm>>
    tpu.enqueue_indirect_dma source(%dma_start3A_71 : memref<1000000x64xf32, #tpu.memory_space<hbm>>) target(%dma_start3A_65 : memref<128x64xf32, #tpu.memory_space<vmem>>) offsets(%dma_start3A_68 : memref<128xi32, #tpu.memory_space<vmem>>) semaphore(%arg13 : memref<!tpu.dma_semaphore, #tpu.memory_space<semaphore_mem>>)
    %dma_start3A_72 = arith.constant 3 : i32
    %dma_start3A_73 = arith.constant 384 : i32
    %dma_start3A_74 = arith.constant 0 : i32
    %dma_start3A_75 = tpu.memref_slice %arg10[%dma_start3A_73, %dma_start3A_74] : memref<512x64xf32, #tpu.memory_space<vmem>> -> memref<128x64xf32, #tpu.memory_space<vmem>>
    %dma_start3A_76 = arith.constant 0 : i32
    %dma_start3A_77 = tpu.memref_slice %arg8[%dma_start3A_72, %dma_start3A_76] : memref<4x128xi32, #tpu.memory_space<vmem>> -> memref<1x128xi32, #tpu.memory_space<vmem>>
    %dma_start3A_78 = tpu.memref_squeeze %dma_start3A_77 : memref<1x128xi32, #tpu.memory_space<vmem>> -> memref<128xi32, #tpu.memory_space<vmem>>
    %dma_start3A_79 = arith.constant 0 : i32
    %dma_start3A_80 = arith.constant 0 : i32
    %dma_start3A_81 = tpu.memref_slice %arg5[%dma_start3A_79, %dma_start3A_80] : memref<1000000x64xf32, #tpu.memory_space<hbm>> -> memref<1000000x64xf32, #tpu.memory_space<hbm>>
    tpu.enqueue_indirect_dma source(%dma_start3A_81 : memref<1000000x64xf32, #tpu.memory_space<hbm>>) target(%dma_start3A_75 : memref<128x64xf32, #tpu.memory_space<vmem>>) offsets(%dma_start3A_78 : memref<128xi32, #tpu.memory_space<vmem>>) semaphore(%arg13 : memref<!tpu.dma_semaphore, #tpu.memory_space<semaphore_mem>>)
    %dma_wait3A = arith.constant 0 : i32
    %dma_wait3A_82 = arith.constant 0 : i32
    %dma_wait3A_83 = arith.constant 0 : i32
    %dma_wait3A_84 = tpu.memref_slice %arg9[%dma_wait3A_82, %dma_wait3A_83] : memref<512x64xf32, #tpu.memory_space<vmem>> -> memref<128x64xf32, #tpu.memory_space<vmem>>
    %dma_wait3A_85 = arith.constant 0 : i32
    %dma_wait3A_86 = tpu.memref_slice %arg7[%dma_wait3A, %dma_wait3A_85] : memref<4x128xi32, #tpu.memory_space<vmem>> -> memref<1x128xi32, #tpu.memory_space<vmem>>
    %dma_wait3A_87 = tpu.memref_squeeze %dma_wait3A_86 : memref<1x128xi32, #tpu.memory_space<vmem>> -> memref<128xi32, #tpu.memory_space<vmem>>
    %dma_wait3A_88 = arith.constant 0 : i32
    %dma_wait3A_89 = arith.constant 0 : i32
    %dma_wait3A_90 = tpu.memref_slice %arg4[%dma_wait3A_88, %dma_wait3A_89] : memref<1000000x64xf32, #tpu.memory_space<hbm>> -> memref<1000000x64xf32, #tpu.memory_space<hbm>>
    tpu.wait_indirect_dma semaphore(%arg13 : memref<!tpu.dma_semaphore, #tpu.memory_space<semaphore_mem>>) src(%dma_wait3A_90 : memref<1000000x64xf32, #tpu.memory_space<hbm>>) dst(%dma_wait3A_84 : memref<128x64xf32, #tpu.memory_space<vmem>>)
    %dma_wait3A_91 = arith.constant 0 : i32
    %dma_wait3A_92 = arith.constant 0 : i32
    %dma_wait3A_93 = arith.constant 0 : i32
    %dma_wait3A_94 = tpu.memref_slice %arg10[%dma_wait3A_92, %dma_wait3A_93] : memref<512x64xf32, #tpu.memory_space<vmem>> -> memref<128x64xf32, #tpu.memory_space<vmem>>
    %dma_wait3A_95 = arith.constant 0 : i32
    %dma_wait3A_96 = tpu.memref_slice %arg8[%dma_wait3A_91, %dma_wait3A_95] : memref<4x128xi32, #tpu.memory_space<vmem>> -> memref<1x128xi32, #tpu.memory_space<vmem>>
    %dma_wait3A_97 = tpu.memref_squeeze %dma_wait3A_96 : memref<1x128xi32, #tpu.memory_space<vmem>> -> memref<128xi32, #tpu.memory_space<vmem>>
    %dma_wait3A_98 = arith.constant 0 : i32
    %dma_wait3A_99 = arith.constant 0 : i32
    %dma_wait3A_100 = tpu.memref_slice %arg5[%dma_wait3A_98, %dma_wait3A_99] : memref<1000000x64xf32, #tpu.memory_space<hbm>> -> memref<1000000x64xf32, #tpu.memory_space<hbm>>
    tpu.wait_indirect_dma semaphore(%arg13 : memref<!tpu.dma_semaphore, #tpu.memory_space<semaphore_mem>>) src(%dma_wait3A_100 : memref<1000000x64xf32, #tpu.memory_space<hbm>>) dst(%dma_wait3A_94 : memref<128x64xf32, #tpu.memory_space<vmem>>)
    %dma_wait3A_101 = arith.constant 1 : i32
    %dma_wait3A_102 = arith.constant 128 : i32
    %dma_wait3A_103 = arith.constant 0 : i32
    %dma_wait3A_104 = tpu.memref_slice %arg9[%dma_wait3A_102, %dma_wait3A_103] : memref<512x64xf32, #tpu.memory_space<vmem>> -> memref<128x64xf32, #tpu.memory_space<vmem>>
    %dma_wait3A_105 = arith.constant 0 : i32
    %dma_wait3A_106 = tpu.memref_slice %arg7[%dma_wait3A_101, %dma_wait3A_105] : memref<4x128xi32, #tpu.memory_space<vmem>> -> memref<1x128xi32, #tpu.memory_space<vmem>>
    %dma_wait3A_107 = tpu.memref_squeeze %dma_wait3A_106 : memref<1x128xi32, #tpu.memory_space<vmem>> -> memref<128xi32, #tpu.memory_space<vmem>>
    %dma_wait3A_108 = arith.constant 0 : i32
    %dma_wait3A_109 = arith.constant 0 : i32
    %dma_wait3A_110 = tpu.memref_slice %arg4[%dma_wait3A_108, %dma_wait3A_109] : memref<1000000x64xf32, #tpu.memory_space<hbm>> -> memref<1000000x64xf32, #tpu.memory_space<hbm>>
    tpu.wait_indirect_dma semaphore(%arg13 : memref<!tpu.dma_semaphore, #tpu.memory_space<semaphore_mem>>) src(%dma_wait3A_110 : memref<1000000x64xf32, #tpu.memory_space<hbm>>) dst(%dma_wait3A_104 : memref<128x64xf32, #tpu.memory_space<vmem>>)
    %dma_wait3A_111 = arith.constant 1 : i32
    %dma_wait3A_112 = arith.constant 128 : i32
    %dma_wait3A_113 = arith.constant 0 : i32
    %dma_wait3A_114 = tpu.memref_slice %arg10[%dma_wait3A_112, %dma_wait3A_113] : memref<512x64xf32, #tpu.memory_space<vmem>> -> memref<128x64xf32, #tpu.memory_space<vmem>>
    %dma_wait3A_115 = arith.constant 0 : i32
    %dma_wait3A_116 = tpu.memref_slice %arg8[%dma_wait3A_111, %dma_wait3A_115] : memref<4x128xi32, #tpu.memory_space<vmem>> -> memref<1x128xi32, #tpu.memory_space<vmem>>
    %dma_wait3A_117 = tpu.memref_squeeze %dma_wait3A_116 : memref<1x128xi32, #tpu.memory_space<vmem>> -> memref<128xi32, #tpu.memory_space<vmem>>
    %dma_wait3A_118 = arith.constant 0 : i32
    %dma_wait3A_119 = arith.constant 0 : i32
    %dma_wait3A_120 = tpu.memref_slice %arg5[%dma_wait3A_118, %dma_wait3A_119] : memref<1000000x64xf32, #tpu.memory_space<hbm>> -> memref<1000000x64xf32, #tpu.memory_space<hbm>>
    tpu.wait_indirect_dma semaphore(%arg13 : memref<!tpu.dma_semaphore, #tpu.memory_space<semaphore_mem>>) src(%dma_wait3A_120 : memref<1000000x64xf32, #tpu.memory_space<hbm>>) dst(%dma_wait3A_114 : memref<128x64xf32, #tpu.memory_space<vmem>>)
    %dma_wait3A_121 = arith.constant 2 : i32
    %dma_wait3A_122 = arith.constant 256 : i32
    %dma_wait3A_123 = arith.constant 0 : i32
    %dma_wait3A_124 = tpu.memref_slice %arg9[%dma_wait3A_122, %dma_wait3A_123] : memref<512x64xf32, #tpu.memory_space<vmem>> -> memref<128x64xf32, #tpu.memory_space<vmem>>
    %dma_wait3A_125 = arith.constant 0 : i32
    %dma_wait3A_126 = tpu.memref_slice %arg7[%dma_wait3A_121, %dma_wait3A_125] : memref<4x128xi32, #tpu.memory_space<vmem>> -> memref<1x128xi32, #tpu.memory_space<vmem>>
    %dma_wait3A_127 = tpu.memref_squeeze %dma_wait3A_126 : memref<1x128xi32, #tpu.memory_space<vmem>> -> memref<128xi32, #tpu.memory_space<vmem>>
    %dma_wait3A_128 = arith.constant 0 : i32
    %dma_wait3A_129 = arith.constant 0 : i32
    %dma_wait3A_130 = tpu.memref_slice %arg4[%dma_wait3A_128, %dma_wait3A_129] : memref<1000000x64xf32, #tpu.memory_space<hbm>> -> memref<1000000x64xf32, #tpu.memory_space<hbm>>
    tpu.wait_indirect_dma semaphore(%arg13 : memref<!tpu.dma_semaphore, #tpu.memory_space<semaphore_mem>>) src(%dma_wait3A_130 : memref<1000000x64xf32, #tpu.memory_space<hbm>>) dst(%dma_wait3A_124 : memref<128x64xf32, #tpu.memory_space<vmem>>)
    %dma_wait3A_131 = arith.constant 2 : i32
    %dma_wait3A_132 = arith.constant 256 : i32
    %dma_wait3A_133 = arith.constant 0 : i32
    %dma_wait3A_134 = tpu.memref_slice %arg10[%dma_wait3A_132, %dma_wait3A_133] : memref<512x64xf32, #tpu.memory_space<vmem>> -> memref<128x64xf32, #tpu.memory_space<vmem>>
    %dma_wait3A_135 = arith.constant 0 : i32
    %dma_wait3A_136 = tpu.memref_slice %arg8[%dma_wait3A_131, %dma_wait3A_135] : memref<4x128xi32, #tpu.memory_space<vmem>> -> memref<1x128xi32, #tpu.memory_space<vmem>>
    %dma_wait3A_137 = tpu.memref_squeeze %dma_wait3A_136 : memref<1x128xi32, #tpu.memory_space<vmem>> -> memref<128xi32, #tpu.memory_space<vmem>>
    %dma_wait3A_138 = arith.constant 0 : i32
    %dma_wait3A_139 = arith.constant 0 : i32
    %dma_wait3A_140 = tpu.memref_slice %arg5[%dma_wait3A_138, %dma_wait3A_139] : memref<1000000x64xf32, #tpu.memory_space<hbm>> -> memref<1000000x64xf32, #tpu.memory_space<hbm>>
    tpu.wait_indirect_dma semaphore(%arg13 : memref<!tpu.dma_semaphore, #tpu.memory_space<semaphore_mem>>) src(%dma_wait3A_140 : memref<1000000x64xf32, #tpu.memory_space<hbm>>) dst(%dma_wait3A_134 : memref<128x64xf32, #tpu.memory_space<vmem>>)
    %dma_wait3A_141 = arith.constant 3 : i32
    %dma_wait3A_142 = arith.constant 384 : i32
    %dma_wait3A_143 = arith.constant 0 : i32
    %dma_wait3A_144 = tpu.memref_slice %arg9[%dma_wait3A_142, %dma_wait3A_143] : memref<512x64xf32, #tpu.memory_space<vmem>> -> memref<128x64xf32, #tpu.memory_space<vmem>>
    %dma_wait3A_145 = arith.constant 0 : i32
    %dma_wait3A_146 = tpu.memref_slice %arg7[%dma_wait3A_141, %dma_wait3A_145] : memref<4x128xi32, #tpu.memory_space<vmem>> -> memref<1x128xi32, #tpu.memory_space<vmem>>
    %dma_wait3A_147 = tpu.memref_squeeze %dma_wait3A_146 : memref<1x128xi32, #tpu.memory_space<vmem>> -> memref<128xi32, #tpu.memory_space<vmem>>
    %dma_wait3A_148 = arith.constant 0 : i32
    %dma_wait3A_149 = arith.constant 0 : i32
    %dma_wait3A_150 = tpu.memref_slice %arg4[%dma_wait3A_148, %dma_wait3A_149] : memref<1000000x64xf32, #tpu.memory_space<hbm>> -> memref<1000000x64xf32, #tpu.memory_space<hbm>>
    tpu.wait_indirect_dma semaphore(%arg13 : memref<!tpu.dma_semaphore, #tpu.memory_space<semaphore_mem>>) src(%dma_wait3A_150 : memref<1000000x64xf32, #tpu.memory_space<hbm>>) dst(%dma_wait3A_144 : memref<128x64xf32, #tpu.memory_space<vmem>>)
    %dma_wait3A_151 = arith.constant 3 : i32
    %dma_wait3A_152 = arith.constant 384 : i32
    %dma_wait3A_153 = arith.constant 0 : i32
    %dma_wait3A_154 = tpu.memref_slice %arg10[%dma_wait3A_152, %dma_wait3A_153] : memref<512x64xf32, #tpu.memory_space<vmem>> -> memref<128x64xf32, #tpu.memory_space<vmem>>
    %dma_wait3A_155 = arith.constant 0 : i32
    %dma_wait3A_156 = tpu.memref_slice %arg8[%dma_wait3A_151, %dma_wait3A_155] : memref<4x128xi32, #tpu.memory_space<vmem>> -> memref<1x128xi32, #tpu.memory_space<vmem>>
    %dma_wait3A_157 = tpu.memref_squeeze %dma_wait3A_156 : memref<1x128xi32, #tpu.memory_space<vmem>> -> memref<128xi32, #tpu.memory_space<vmem>>
    %dma_wait3A_158 = arith.constant 0 : i32
    %dma_wait3A_159 = arith.constant 0 : i32
    %dma_wait3A_160 = tpu.memref_slice %arg5[%dma_wait3A_158, %dma_wait3A_159] : memref<1000000x64xf32, #tpu.memory_space<hbm>> -> memref<1000000x64xf32, #tpu.memory_space<hbm>>
    tpu.wait_indirect_dma semaphore(%arg13 : memref<!tpu.dma_semaphore, #tpu.memory_space<semaphore_mem>>) src(%dma_wait3A_160 : memref<1000000x64xf32, #tpu.memory_space<hbm>>) dst(%dma_wait3A_154 : memref<128x64xf32, #tpu.memory_space<vmem>>)
    %iota3A = tpu.iota {dimensions = array<i32: 0>} : vector<16xi32>
    %mul3A_161 = arith.constant 0 : i32
    %mul3A_162 = vector.broadcast %mul3A_161 : i32 to vector<16xi32>
    %mul3A_163 = arith.muli %iota3A, %mul3A_162 : vector<16xi32>
    %add3A_164 = arith.constant 0 : i32
    %add3A_165 = vector.broadcast %add3A_164 : i32 to vector<16xi32>
    %add3A_166 = arith.addi %mul3A_163, %add3A_165 : vector<16xi32>
    %mul3A_167 = arith.constant 0 : i32
    %mul3A_168 = vector.broadcast %mul3A_167 : i32 to vector<16xi32>
    %mul3A_169 = arith.muli %iota3A, %mul3A_168 : vector<16xi32>
    %add3A_170 = arith.constant 1 : i32
    %add3A_171 = vector.broadcast %add3A_170 : i32 to vector<16xi32>
    %add3A_172 = arith.addi %mul3A_169, %add3A_171 : vector<16xi32>
    %mul3A_173 = arith.constant 0 : i32
    %mul3A_174 = vector.broadcast %mul3A_173 : i32 to vector<16xi32>
    %mul3A_175 = arith.muli %iota3A, %mul3A_174 : vector<16xi32>
    %add3A_176 = arith.constant 2 : i32
    %add3A_177 = vector.broadcast %add3A_176 : i32 to vector<16xi32>
    %add3A_178 = arith.addi %mul3A_175, %add3A_177 : vector<16xi32>
    %mul3A_179 = arith.constant 0 : i32
    %mul3A_180 = vector.broadcast %mul3A_179 : i32 to vector<16xi32>
    %mul3A_181 = arith.muli %iota3A, %mul3A_180 : vector<16xi32>
    %add3A_182 = arith.constant 3 : i32
    %add3A_183 = vector.broadcast %add3A_182 : i32 to vector<16xi32>
    %add3A_184 = arith.addi %mul3A_181, %add3A_183 : vector<16xi32>
    %mul3A_185 = arith.constant 0 : i32
    %mul3A_186 = vector.broadcast %mul3A_185 : i32 to vector<16xi32>
    %mul3A_187 = arith.muli %iota3A, %mul3A_186 : vector<16xi32>
    %add3A_188 = arith.constant 4 : i32
    %add3A_189 = vector.broadcast %add3A_188 : i32 to vector<16xi32>
    %add3A_190 = arith.addi %mul3A_187, %add3A_189 : vector<16xi32>
    %mul3A_191 = arith.constant 0 : i32
    %mul3A_192 = vector.broadcast %mul3A_191 : i32 to vector<16xi32>
    %mul3A_193 = arith.muli %iota3A, %mul3A_192 : vector<16xi32>
    %add3A_194 = arith.constant 5 : i32
    %add3A_195 = vector.broadcast %add3A_194 : i32 to vector<16xi32>
    %add3A_196 = arith.addi %mul3A_193, %add3A_195 : vector<16xi32>
    %mul3A_197 = arith.constant 0 : i32
    %mul3A_198 = vector.broadcast %mul3A_197 : i32 to vector<16xi32>
    %mul3A_199 = arith.muli %iota3A, %mul3A_198 : vector<16xi32>
    %add3A_200 = arith.constant 6 : i32
    %add3A_201 = vector.broadcast %add3A_200 : i32 to vector<16xi32>
    %add3A_202 = arith.addi %mul3A_199, %add3A_201 : vector<16xi32>
    %mul3A_203 = arith.constant 0 : i32
    %mul3A_204 = vector.broadcast %mul3A_203 : i32 to vector<16xi32>
    %mul3A_205 = arith.muli %iota3A, %mul3A_204 : vector<16xi32>
    %add3A_206 = arith.constant 7 : i32
    %add3A_207 = vector.broadcast %add3A_206 : i32 to vector<16xi32>
    %add3A_208 = arith.addi %mul3A_205, %add3A_207 : vector<16xi32>
    %mul3A_209 = arith.constant 0 : i32
    %mul3A_210 = vector.broadcast %mul3A_209 : i32 to vector<16xi32>
    %mul3A_211 = arith.muli %iota3A, %mul3A_210 : vector<16xi32>
    %add3A_212 = arith.constant 8 : i32
    %add3A_213 = vector.broadcast %add3A_212 : i32 to vector<16xi32>
    %add3A_214 = arith.addi %mul3A_211, %add3A_213 : vector<16xi32>
    %mul3A_215 = arith.constant 0 : i32
    %mul3A_216 = vector.broadcast %mul3A_215 : i32 to vector<16xi32>
    %mul3A_217 = arith.muli %iota3A, %mul3A_216 : vector<16xi32>
    %add3A_218 = arith.constant 9 : i32
    %add3A_219 = vector.broadcast %add3A_218 : i32 to vector<16xi32>
    %add3A_220 = arith.addi %mul3A_217, %add3A_219 : vector<16xi32>
    %mul3A_221 = arith.constant 0 : i32
    %mul3A_222 = vector.broadcast %mul3A_221 : i32 to vector<16xi32>
    %mul3A_223 = arith.muli %iota3A, %mul3A_222 : vector<16xi32>
    %add3A_224 = arith.constant 10 : i32
    %add3A_225 = vector.broadcast %add3A_224 : i32 to vector<16xi32>
    %add3A_226 = arith.addi %mul3A_223, %add3A_225 : vector<16xi32>
    %mul3A_227 = arith.constant 0 : i32
    %mul3A_228 = vector.broadcast %mul3A_227 : i32 to vector<16xi32>
    %mul3A_229 = arith.muli %iota3A, %mul3A_228 : vector<16xi32>
    %add3A_230 = arith.constant 11 : i32
    %add3A_231 = vector.broadcast %add3A_230 : i32 to vector<16xi32>
    %add3A_232 = arith.addi %mul3A_229, %add3A_231 : vector<16xi32>
    %mul3A_233 = arith.constant 0 : i32
    %mul3A_234 = vector.broadcast %mul3A_233 : i32 to vector<16xi32>
    %mul3A_235 = arith.muli %iota3A, %mul3A_234 : vector<16xi32>
    %add3A_236 = arith.constant 12 : i32
    %add3A_237 = vector.broadcast %add3A_236 : i32 to vector<16xi32>
    %add3A_238 = arith.addi %mul3A_235, %add3A_237 : vector<16xi32>
    %mul3A_239 = arith.constant 0 : i32
    %mul3A_240 = vector.broadcast %mul3A_239 : i32 to vector<16xi32>
    %mul3A_241 = arith.muli %iota3A, %mul3A_240 : vector<16xi32>
    %add3A_242 = arith.constant 13 : i32
    %add3A_243 = vector.broadcast %add3A_242 : i32 to vector<16xi32>
    %add3A_244 = arith.addi %mul3A_241, %add3A_243 : vector<16xi32>
    %mul3A_245 = arith.constant 0 : i32
    %mul3A_246 = vector.broadcast %mul3A_245 : i32 to vector<16xi32>
    %mul3A_247 = arith.muli %iota3A, %mul3A_246 : vector<16xi32>
    %add3A_248 = arith.constant 14 : i32
    %add3A_249 = vector.broadcast %add3A_248 : i32 to vector<16xi32>
    %add3A_250 = arith.addi %mul3A_247, %add3A_249 : vector<16xi32>
    %mul3A_251 = arith.constant 0 : i32
    %mul3A_252 = vector.broadcast %mul3A_251 : i32 to vector<16xi32>
    %mul3A_253 = arith.muli %iota3A, %mul3A_252 : vector<16xi32>
    %add3A_254 = arith.constant 15 : i32
    %add3A_255 = vector.broadcast %add3A_254 : i32 to vector<16xi32>
    %add3A_256 = arith.addi %mul3A_253, %add3A_255 : vector<16xi32>
    %scan3A = arith.constant 0 : i32
    %scan3A_257 = arith.constant 0 : i32
    %scan3A_258 = arith.constant 32 : i32
    %scan3A_259 = arith.addi %scan3A_257, %scan3A_258 : i32
    %scan3A_260 = arith.constant 1 : i32
    %scan3A_261 = scf.for %scan3A_265 = %scan3A_257 to %scan3A_259 step %scan3A_260 iter_args(%scan3A_266 = %scan3A) -> (i32)  : i32 {
      %mul3A_267 = arith.constant 16 : i32
      %mul3A_268 = arith.muli %scan3A_265, %mul3A_267 : i32
      %add3A_269 = arith.constant 0 : i32
      %add3A_270 = arith.addi %mul3A_268, %add3A_269 : i32
      %get3A = arith.index_cast %add3A_270 : i32 to index
      %get3A_271 = arith.constant 0 : index
      %get3A_272 = tpu.vector_load %arg9[%get3A, %get3A_271] {strides = array<i32>} : memref<512x64xf32, #tpu.memory_space<vmem>>, vector<16xf32>,
      %get3A_273 = arith.index_cast %add3A_270 : i32 to index
      %get3A_274 = arith.constant 0 : index
      %get3A_275 = tpu.vector_load %arg10[%get3A_273, %get3A_274] {strides = array<i32>} : memref<512x64xf32, #tpu.memory_space<vmem>>, vector<16xf32>,
      %mul3A_276 = arith.mulf %get3A_272, %get3A_275 : vector<16xf32>
      %get3A_277 = arith.index_cast %add3A_270 : i32 to index
      %get3A_278 = arith.constant 16 : index
      %get3A_279 = tpu.vector_load %arg9[%get3A_277, %get3A_278] {strides = array<i32>} : memref<512x64xf32, #tpu.memory_space<vmem>>, vector<16xf32>,
      %get3A_280 = arith.index_cast %add3A_270 : i32 to index
      %get3A_281 = arith.constant 16 : index
      %get3A_282 = tpu.vector_load %arg10[%get3A_280, %get3A_281] {strides = array<i32>} : memref<512x64xf32, #tpu.memory_space<vmem>>, vector<16xf32>,
      %mul3A_283 = arith.mulf %get3A_279, %get3A_282 : vector<16xf32>
      %add3A_284 = arith.addf %mul3A_276, %mul3A_283 : vector<16xf32>
      %get3A_285 = arith.index_cast %add3A_270 : i32 to index
      %get3A_286 = arith.constant 32 : index
      %get3A_287 = tpu.vector_load %arg9[%get3A_285, %get3A_286] {strides = array<i32>} : memref<512x64xf32, #tpu.memory_space<vmem>>, vector<16xf32>,
      %get3A_288 = arith.index_cast %add3A_270 : i32 to index
      %get3A_289 = arith.constant 32 : index
      %get3A_290 = tpu.vector_load %arg10[%get3A_288, %get3A_289] {strides = array<i32>} : memref<512x64xf32, #tpu.memory_space<vmem>>, vector<16xf32>,
      %mul3A_291 = arith.mulf %get3A_287, %get3A_290 : vector<16xf32>
      %add3A_292 = arith.addf %add3A_284, %mul3A_291 : vector<16xf32>
      %get3A_293 = arith.index_cast %add3A_270 : i32 to index
      %get3A_294 = arith.constant 48 : index
      %get3A_295 = tpu.vector_load %arg9[%get3A_293, %get3A_294] {strides = array<i32>} : memref<512x64xf32, #tpu.memory_space<vmem>>, vector<16xf32>,
      %get3A_296 = arith.index_cast %add3A_270 : i32 to index
      %get3A_297 = arith.constant 48 : index
      %get3A_298 = tpu.vector_load %arg10[%get3A_296, %get3A_297] {strides = array<i32>} : memref<512x64xf32, #tpu.memory_space<vmem>>, vector<16xf32>,
      %mul3A_299 = arith.mulf %get3A_295, %get3A_298 : vector<16xf32>
      %add3A_300 = arith.addf %add3A_292, %mul3A_299 : vector<16xf32>
      %swap3A = arith.constant 0 : i32
      %swap3A_301 = arith.index_cast %swap3A : i32 to index
      %swap3A_302 = arith.constant 0 : index
      %swap3A_303 = tpu.vector_load %arg12[%swap3A_301, %swap3A_302] {strides = array<i32>} : memref<16x17xf32, #tpu.memory_space<vmem>>, vector<16xf32>,
      tpu.vector_store %arg12[%swap3A_301, %swap3A_302], %add3A_300 {strides = array<i32>} : memref<16x17xf32, #tpu.memory_space<vmem>>, vector<16xf32>,
      %mul3A_304 = arith.constant 16 : i32
      %mul3A_305 = arith.muli %scan3A_265, %mul3A_304 : i32
      %add3A_306 = arith.constant 1 : i32
      %add3A_307 = arith.addi %mul3A_305, %add3A_306 : i32
      %get3A_308 = arith.index_cast %add3A_307 : i32 to index
      %get3A_309 = arith.constant 0 : index
      %get3A_310 = tpu.vector_load %arg9[%get3A_308, %get3A_309] {strides = array<i32>} : memref<512x64xf32, #tpu.memory_space<vmem>>, vector<16xf32>,
      %get3A_311 = arith.index_cast %add3A_307 : i32 to index
      %get3A_312 = arith.constant 0 : index
      %get3A_313 = tpu.vector_load %arg10[%get3A_311, %get3A_312] {strides = array<i32>} : memref<512x64xf32, #tpu.memory_space<vmem>>, vector<16xf32>,
      %mul3A_314 = arith.mulf %get3A_310, %get3A_313 : vector<16xf32>
      %get3A_315 = arith.index_cast %add3A_307 : i32 to index
      %get3A_316 = arith.constant 16 : index
      %get3A_317 = tpu.vector_load %arg9[%get3A_315, %get3A_316] {strides = array<i32>} : memref<512x64xf32, #tpu.memory_space<vmem>>, vector<16xf32>,
      %get3A_318 = arith.index_cast %add3A_307 : i32 to index
      %get3A_319 = arith.constant 16 : index
      %get3A_320 = tpu.vector_load %arg10[%get3A_318, %get3A_319] {strides = array<i32>} : memref<512x64xf32, #tpu.memory_space<vmem>>, vector<16xf32>,
      %mul3A_321 = arith.mulf %get3A_317, %get3A_320 : vector<16xf32>
      %add3A_322 = arith.addf %mul3A_314, %mul3A_321 : vector<16xf32>
      %get3A_323 = arith.index_cast %add3A_307 : i32 to index
      %get3A_324 = arith.constant 32 : index
      %get3A_325 = tpu.vector_load %arg9[%get3A_323, %get3A_324] {strides = array<i32>} : memref<512x64xf32, #tpu.memory_space<vmem>>, vector<16xf32>,
      %get3A_326 = arith.index_cast %add3A_307 : i32 to index
      %get3A_327 = arith.constant 32 : index
      %get3A_328 = tpu.vector_load %arg10[%get3A_326, %get3A_327] {strides = array<i32>} : memref<512x64xf32, #tpu.memory_space<vmem>>, vector<16xf32>,
      %mul3A_329 = arith.mulf %get3A_325, %get3A_328 : vector<16xf32>
      %add3A_330 = arith.addf %add3A_322, %mul3A_329 : vector<16xf32>
      %get3A_331 = arith.index_cast %add3A_307 : i32 to index
      %get3A_332 = arith.constant 48 : index
      %get3A_333 = tpu.vector_load %arg9[%get3A_331, %get3A_332] {strides = array<i32>} : memref<512x64xf32, #tpu.memory_space<vmem>>, vector<16xf32>,
      %get3A_334 = arith.index_cast %add3A_307 : i32 to index
      %get3A_335 = arith.constant 48 : index
      %get3A_336 = tpu.vector_load %arg10[%get3A_334, %get3A_335] {strides = array<i32>} : memref<512x64xf32, #tpu.memory_space<vmem>>, vector<16xf32>,
      %mul3A_337 = arith.mulf %get3A_333, %get3A_336 : vector<16xf32>
      %add3A_338 = arith.addf %add3A_330, %mul3A_337 : vector<16xf32>
      %swap3A_339 = arith.constant 1 : i32
      %swap3A_340 = arith.index_cast %swap3A_339 : i32 to index
      %swap3A_341 = arith.constant 0 : index
      %swap3A_342 = tpu.vector_load %arg12[%swap3A_340, %swap3A_341] {strides = array<i32>} : memref<16x17xf32, #tpu.memory_space<vmem>>, vector<16xf32>,
      tpu.vector_store %arg12[%swap3A_340, %swap3A_341], %add3A_338 {strides = array<i32>} : memref<16x17xf32, #tpu.memory_space<vmem>>, vector<16xf32>,
      %mul3A_343 = arith.constant 16 : i32
      %mul3A_344 = arith.muli %scan3A_265, %mul3A_343 : i32
      %add3A_345 = arith.constant 2 : i32
      %add3A_346 = arith.addi %mul3A_344, %add3A_345 : i32
      %get3A_347 = arith.index_cast %add3A_346 : i32 to index
      %get3A_348 = arith.constant 0 : index
      %get3A_349 = tpu.vector_load %arg9[%get3A_347, %get3A_348] {strides = array<i32>} : memref<512x64xf32, #tpu.memory_space<vmem>>, vector<16xf32>,
      %get3A_350 = arith.index_cast %add3A_346 : i32 to index
      %get3A_351 = arith.constant 0 : index
      %get3A_352 = tpu.vector_load %arg10[%get3A_350, %get3A_351] {strides = array<i32>} : memref<512x64xf32, #tpu.memory_space<vmem>>, vector<16xf32>,
      %mul3A_353 = arith.mulf %get3A_349, %get3A_352 : vector<16xf32>
      %get3A_354 = arith.index_cast %add3A_346 : i32 to index
      %get3A_355 = arith.constant 16 : index
      %get3A_356 = tpu.vector_load %arg9[%get3A_354, %get3A_355] {strides = array<i32>} : memref<512x64xf32, #tpu.memory_space<vmem>>, vector<16xf32>,
      %get3A_357 = arith.index_cast %add3A_346 : i32 to index
      %get3A_358 = arith.constant 16 : index
      %get3A_359 = tpu.vector_load %arg10[%get3A_357, %get3A_358] {strides = array<i32>} : memref<512x64xf32, #tpu.memory_space<vmem>>, vector<16xf32>,
      %mul3A_360 = arith.mulf %get3A_356, %get3A_359 : vector<16xf32>
      %add3A_361 = arith.addf %mul3A_353, %mul3A_360 : vector<16xf32>
      %get3A_362 = arith.index_cast %add3A_346 : i32 to index
      %get3A_363 = arith.constant 32 : index
      %get3A_364 = tpu.vector_load %arg9[%get3A_362, %get3A_363] {strides = array<i32>} : memref<512x64xf32, #tpu.memory_space<vmem>>, vector<16xf32>,
      %get3A_365 = arith.index_cast %add3A_346 : i32 to index
      %get3A_366 = arith.constant 32 : index
      %get3A_367 = tpu.vector_load %arg10[%get3A_365, %get3A_366] {strides = array<i32>} : memref<512x64xf32, #tpu.memory_space<vmem>>, vector<16xf32>,
      %mul3A_368 = arith.mulf %get3A_364, %get3A_367 : vector<16xf32>
      %add3A_369 = arith.addf %add3A_361, %mul3A_368 : vector<16xf32>
      %get3A_370 = arith.index_cast %add3A_346 : i32 to index
      %get3A_371 = arith.constant 48 : index
      %get3A_372 = tpu.vector_load %arg9[%get3A_370, %get3A_371] {strides = array<i32>} : memref<512x64xf32, #tpu.memory_space<vmem>>, vector<16xf32>,
      %get3A_373 = arith.index_cast %add3A_346 : i32 to index
      %get3A_374 = arith.constant 48 : index
      %get3A_375 = tpu.vector_load %arg10[%get3A_373, %get3A_374] {strides = array<i32>} : memref<512x64xf32, #tpu.memory_space<vmem>>, vector<16xf32>,
      %mul3A_376 = arith.mulf %get3A_372, %get3A_375 : vector<16xf32>
      %add3A_377 = arith.addf %add3A_369, %mul3A_376 : vector<16xf32>
      %swap3A_378 = arith.constant 2 : i32
      %swap3A_379 = arith.index_cast %swap3A_378 : i32 to index
      %swap3A_380 = arith.constant 0 : index
      %swap3A_381 = tpu.vector_load %arg12[%swap3A_379, %swap3A_380] {strides = array<i32>} : memref<16x17xf32, #tpu.memory_space<vmem>>, vector<16xf32>,
      tpu.vector_store %arg12[%swap3A_379, %swap3A_380], %add3A_377 {strides = array<i32>} : memref<16x17xf32, #tpu.memory_space<vmem>>, vector<16xf32>,
      %mul3A_382 = arith.constant 16 : i32
      %mul3A_383 = arith.muli %scan3A_265, %mul3A_382 : i32
      %add3A_384 = arith.constant 3 : i32
      %add3A_385 = arith.addi %mul3A_383, %add3A_384 : i32
      %get3A_386 = arith.index_cast %add3A_385 : i32 to index
      %get3A_387 = arith.constant 0 : index
      %get3A_388 = tpu.vector_load %arg9[%get3A_386, %get3A_387] {strides = array<i32>} : memref<512x64xf32, #tpu.memory_space<vmem>>, vector<16xf32>,
      %get3A_389 = arith.index_cast %add3A_385 : i32 to index
      %get3A_390 = arith.constant 0 : index
      %get3A_391 = tpu.vector_load %arg10[%get3A_389, %get3A_390] {strides = array<i32>} : memref<512x64xf32, #tpu.memory_space<vmem>>, vector<16xf32>,
      %mul3A_392 = arith.mulf %get3A_388, %get3A_391 : vector<16xf32>
      %get3A_393 = arith.index_cast %add3A_385 : i32 to index
      %get3A_394 = arith.constant 16 : index
      %get3A_395 = tpu.vector_load %arg9[%get3A_393, %get3A_394] {strides = array<i32>} : memref<512x64xf32, #tpu.memory_space<vmem>>, vector<16xf32>,
      %get3A_396 = arith.index_cast %add3A_385 : i32 to index
      %get3A_397 = arith.constant 16 : index
      %get3A_398 = tpu.vector_load %arg10[%get3A_396, %get3A_397] {strides = array<i32>} : memref<512x64xf32, #tpu.memory_space<vmem>>, vector<16xf32>,
      %mul3A_399 = arith.mulf %get3A_395, %get3A_398 : vector<16xf32>
      %add3A_400 = arith.addf %mul3A_392, %mul3A_399 : vector<16xf32>
      %get3A_401 = arith.index_cast %add3A_385 : i32 to index
      %get3A_402 = arith.constant 32 : index
      %get3A_403 = tpu.vector_load %arg9[%get3A_401, %get3A_402] {strides = array<i32>} : memref<512x64xf32, #tpu.memory_space<vmem>>, vector<16xf32>,
      %get3A_404 = arith.index_cast %add3A_385 : i32 to index
      %get3A_405 = arith.constant 32 : index
      %get3A_406 = tpu.vector_load %arg10[%get3A_404, %get3A_405] {strides = array<i32>} : memref<512x64xf32, #tpu.memory_space<vmem>>, vector<16xf32>,
      %mul3A_407 = arith.mulf %get3A_403, %get3A_406 : vector<16xf32>
      %add3A_408 = arith.addf %add3A_400, %mul3A_407 : vector<16xf32>
      %get3A_409 = arith.index_cast %add3A_385 : i32 to index
      %get3A_410 = arith.constant 48 : index
      %get3A_411 = tpu.vector_load %arg9[%get3A_409, %get3A_410] {strides = array<i32>} : memref<512x64xf32, #tpu.memory_space<vmem>>, vector<16xf32>,
      %get3A_412 = arith.index_cast %add3A_385 : i32 to index
      %get3A_413 = arith.constant 48 : index
      %get3A_414 = tpu.vector_load %arg10[%get3A_412, %get3A_413] {strides = array<i32>} : memref<512x64xf32, #tpu.memory_space<vmem>>, vector<16xf32>,
      %mul3A_415 = arith.mulf %get3A_411, %get3A_414 : vector<16xf32>
      %add3A_416 = arith.addf %add3A_408, %mul3A_415 : vector<16xf32>
      %swap3A_417 = arith.constant 3 : i32
      %swap3A_418 = arith.index_cast %swap3A_417 : i32 to index
      %swap3A_419 = arith.constant 0 : index
      %swap3A_420 = tpu.vector_load %arg12[%swap3A_418, %swap3A_419] {strides = array<i32>} : memref<16x17xf32, #tpu.memory_space<vmem>>, vector<16xf32>,
      tpu.vector_store %arg12[%swap3A_418, %swap3A_419], %add3A_416 {strides = array<i32>} : memref<16x17xf32, #tpu.memory_space<vmem>>, vector<16xf32>,
      %mul3A_421 = arith.constant 16 : i32
      %mul3A_422 = arith.muli %scan3A_265, %mul3A_421 : i32
      %add3A_423 = arith.constant 4 : i32
      %add3A_424 = arith.addi %mul3A_422, %add3A_423 : i32
      %get3A_425 = arith.index_cast %add3A_424 : i32 to index
      %get3A_426 = arith.constant 0 : index
      %get3A_427 = tpu.vector_load %arg9[%get3A_425, %get3A_426] {strides = array<i32>} : memref<512x64xf32, #tpu.memory_space<vmem>>, vector<16xf32>,
      %get3A_428 = arith.index_cast %add3A_424 : i32 to index
      %get3A_429 = arith.constant 0 : index
      %get3A_430 = tpu.vector_load %arg10[%get3A_428, %get3A_429] {strides = array<i32>} : memref<512x64xf32, #tpu.memory_space<vmem>>, vector<16xf32>,
      %mul3A_431 = arith.mulf %get3A_427, %get3A_430 : vector<16xf32>
      %get3A_432 = arith.index_cast %add3A_424 : i32 to index
      %get3A_433 = arith.constant 16 : index
      %get3A_434 = tpu.vector_load %arg9[%get3A_432, %get3A_433] {strides = array<i32>} : memref<512x64xf32, #tpu.memory_space<vmem>>, vector<16xf32>,
      %get3A_435 = arith.index_cast %add3A_424 : i32 to index
      %get3A_436 = arith.constant 16 : index
      %get3A_437 = tpu.vector_load %arg10[%get3A_435, %get3A_436] {strides = array<i32>} : memref<512x64xf32, #tpu.memory_space<vmem>>, vector<16xf32>,
      %mul3A_438 = arith.mulf %get3A_434, %get3A_437 : vector<16xf32>
      %add3A_439 = arith.addf %mul3A_431, %mul3A_438 : vector<16xf32>
      %get3A_440 = arith.index_cast %add3A_424 : i32 to index
      %get3A_441 = arith.constant 32 : index
      %get3A_442 = tpu.vector_load %arg9[%get3A_440, %get3A_441] {strides = array<i32>} : memref<512x64xf32, #tpu.memory_space<vmem>>, vector<16xf32>,
      %get3A_443 = arith.index_cast %add3A_424 : i32 to index
      %get3A_444 = arith.constant 32 : index
      %get3A_445 = tpu.vector_load %arg10[%get3A_443, %get3A_444] {strides = array<i32>} : memref<512x64xf32, #tpu.memory_space<vmem>>, vector<16xf32>,
      %mul3A_446 = arith.mulf %get3A_442, %get3A_445 : vector<16xf32>
      %add3A_447 = arith.addf %add3A_439, %mul3A_446 : vector<16xf32>
      %get3A_448 = arith.index_cast %add3A_424 : i32 to index
      %get3A_449 = arith.constant 48 : index
      %get3A_450 = tpu.vector_load %arg9[%get3A_448, %get3A_449] {strides = array<i32>} : memref<512x64xf32, #tpu.memory_space<vmem>>, vector<16xf32>,
      %get3A_451 = arith.index_cast %add3A_424 : i32 to index
      %get3A_452 = arith.constant 48 : index
      %get3A_453 = tpu.vector_load %arg10[%get3A_451, %get3A_452] {strides = array<i32>} : memref<512x64xf32, #tpu.memory_space<vmem>>, vector<16xf32>,
      %mul3A_454 = arith.mulf %get3A_450, %get3A_453 : vector<16xf32>
      %add3A_455 = arith.addf %add3A_447, %mul3A_454 : vector<16xf32>
      %swap3A_456 = arith.constant 4 : i32
      %swap3A_457 = arith.index_cast %swap3A_456 : i32 to index
      %swap3A_458 = arith.constant 0 : index
      %swap3A_459 = tpu.vector_load %arg12[%swap3A_457, %swap3A_458] {strides = array<i32>} : memref<16x17xf32, #tpu.memory_space<vmem>>, vector<16xf32>,
      tpu.vector_store %arg12[%swap3A_457, %swap3A_458], %add3A_455 {strides = array<i32>} : memref<16x17xf32, #tpu.memory_space<vmem>>, vector<16xf32>,
      %mul3A_460 = arith.constant 16 : i32
      %mul3A_461 = arith.muli %scan3A_265, %mul3A_460 : i32
      %add3A_462 = arith.constant 5 : i32
      %add3A_463 = arith.addi %mul3A_461, %add3A_462 : i32
      %get3A_464 = arith.index_cast %add3A_463 : i32 to index
      %get3A_465 = arith.constant 0 : index
      %get3A_466 = tpu.vector_load %arg9[%get3A_464, %get3A_465] {strides = array<i32>} : memref<512x64xf32, #tpu.memory_space<vmem>>, vector<16xf32>,
      %get3A_467 = arith.index_cast %add3A_463 : i32 to index
      %get3A_468 = arith.constant 0 : index
      %get3A_469 = tpu.vector_load %arg10[%get3A_467, %get3A_468] {strides = array<i32>} : memref<512x64xf32, #tpu.memory_space<vmem>>, vector<16xf32>,
      %mul3A_470 = arith.mulf %get3A_466, %get3A_469 : vector<16xf32>
      %get3A_471 = arith.index_cast %add3A_463 : i32 to index
      %get3A_472 = arith.constant 16 : index
      %get3A_473 = tpu.vector_load %arg9[%get3A_471, %get3A_472] {strides = array<i32>} : memref<512x64xf32, #tpu.memory_space<vmem>>, vector<16xf32>,
      %get3A_474 = arith.index_cast %add3A_463 : i32 to index
      %get3A_475 = arith.constant 16 : index
      %get3A_476 = tpu.vector_load %arg10[%get3A_474, %get3A_475] {strides = array<i32>} : memref<512x64xf32, #tpu.memory_space<vmem>>, vector<16xf32>,
      %mul3A_477 = arith.mulf %get3A_473, %get3A_476 : vector<16xf32>
      %add3A_478 = arith.addf %mul3A_470, %mul3A_477 : vector<16xf32>
      %get3A_479 = arith.index_cast %add3A_463 : i32 to index
      %get3A_480 = arith.constant 32 : index
      %get3A_481 = tpu.vector_load %arg9[%get3A_479, %get3A_480] {strides = array<i32>} : memref<512x64xf32, #tpu.memory_space<vmem>>, vector<16xf32>,
      %get3A_482 = arith.index_cast %add3A_463 : i32 to index
      %get3A_483 = arith.constant 32 : index
      %get3A_484 = tpu.vector_load %arg10[%get3A_482, %get3A_483] {strides = array<i32>} : memref<512x64xf32, #tpu.memory_space<vmem>>, vector<16xf32>,
      %mul3A_485 = arith.mulf %get3A_481, %get3A_484 : vector<16xf32>
      %add3A_486 = arith.addf %add3A_478, %mul3A_485 : vector<16xf32>
      %get3A_487 = arith.index_cast %add3A_463 : i32 to index
      %get3A_488 = arith.constant 48 : index
      %get3A_489 = tpu.vector_load %arg9[%get3A_487, %get3A_488] {strides = array<i32>} : memref<512x64xf32, #tpu.memory_space<vmem>>, vector<16xf32>,
      %get3A_490 = arith.index_cast %add3A_463 : i32 to index
      %get3A_491 = arith.constant 48 : index
      %get3A_492 = tpu.vector_load %arg10[%get3A_490, %get3A_491] {strides = array<i32>} : memref<512x64xf32, #tpu.memory_space<vmem>>, vector<16xf32>,
      %mul3A_493 = arith.mulf %get3A_489, %get3A_492 : vector<16xf32>
      %add3A_494 = arith.addf %add3A_486, %mul3A_493 : vector<16xf32>
      %swap3A_495 = arith.constant 5 : i32
      %swap3A_496 = arith.index_cast %swap3A_495 : i32 to index
      %swap3A_497 = arith.constant 0 : index
      %swap3A_498 = tpu.vector_load %arg12[%swap3A_496, %swap3A_497] {strides = array<i32>} : memref<16x17xf32, #tpu.memory_space<vmem>>, vector<16xf32>,
      tpu.vector_store %arg12[%swap3A_496, %swap3A_497], %add3A_494 {strides = array<i32>} : memref<16x17xf32, #tpu.memory_space<vmem>>, vector<16xf32>,
      %mul3A_499 = arith.constant 16 : i32
      %mul3A_500 = arith.muli %scan3A_265, %mul3A_499 : i32
      %add3A_501 = arith.constant 6 : i32
      %add3A_502 = arith.addi %mul3A_500, %add3A_501 : i32
      %get3A_503 = arith.index_cast %add3A_502 : i32 to index
      %get3A_504 = arith.constant 0 : index
      %get3A_505 = tpu.vector_load %arg9[%get3A_503, %get3A_504] {strides = array<i32>} : memref<512x64xf32, #tpu.memory_space<vmem>>, vector<16xf32>,
      %get3A_506 = arith.index_cast %add3A_502 : i32 to index
      %get3A_507 = arith.constant 0 : index
      %get3A_508 = tpu.vector_load %arg10[%get3A_506, %get3A_507] {strides = array<i32>} : memref<512x64xf32, #tpu.memory_space<vmem>>, vector<16xf32>,
      %mul3A_509 = arith.mulf %get3A_505, %get3A_508 : vector<16xf32>
      %get3A_510 = arith.index_cast %add3A_502 : i32 to index
      %get3A_511 = arith.constant 16 : index
      %get3A_512 = tpu.vector_load %arg9[%get3A_510, %get3A_511] {strides = array<i32>} : memref<512x64xf32, #tpu.memory_space<vmem>>, vector<16xf32>,
      %get3A_513 = arith.index_cast %add3A_502 : i32 to index
      %get3A_514 = arith.constant 16 : index
      %get3A_515 = tpu.vector_load %arg10[%get3A_513, %get3A_514] {strides = array<i32>} : memref<512x64xf32, #tpu.memory_space<vmem>>, vector<16xf32>,
      %mul3A_516 = arith.mulf %get3A_512, %get3A_515 : vector<16xf32>
      %add3A_517 = arith.addf %mul3A_509, %mul3A_516 : vector<16xf32>
      %get3A_518 = arith.index_cast %add3A_502 : i32 to index
      %get3A_519 = arith.constant 32 : index
      %get3A_520 = tpu.vector_load %arg9[%get3A_518, %get3A_519] {strides = array<i32>} : memref<512x64xf32, #tpu.memory_space<vmem>>, vector<16xf32>,
      %get3A_521 = arith.index_cast %add3A_502 : i32 to index
      %get3A_522 = arith.constant 32 : index
      %get3A_523 = tpu.vector_load %arg10[%get3A_521, %get3A_522] {strides = array<i32>} : memref<512x64xf32, #tpu.memory_space<vmem>>, vector<16xf32>,
      %mul3A_524 = arith.mulf %get3A_520, %get3A_523 : vector<16xf32>
      %add3A_525 = arith.addf %add3A_517, %mul3A_524 : vector<16xf32>
      %get3A_526 = arith.index_cast %add3A_502 : i32 to index
      %get3A_527 = arith.constant 48 : index
      %get3A_528 = tpu.vector_load %arg9[%get3A_526, %get3A_527] {strides = array<i32>} : memref<512x64xf32, #tpu.memory_space<vmem>>, vector<16xf32>,
      %get3A_529 = arith.index_cast %add3A_502 : i32 to index
      %get3A_530 = arith.constant 48 : index
      %get3A_531 = tpu.vector_load %arg10[%get3A_529, %get3A_530] {strides = array<i32>} : memref<512x64xf32, #tpu.memory_space<vmem>>, vector<16xf32>,
      %mul3A_532 = arith.mulf %get3A_528, %get3A_531 : vector<16xf32>
      %add3A_533 = arith.addf %add3A_525, %mul3A_532 : vector<16xf32>
      %swap3A_534 = arith.constant 6 : i32
      %swap3A_535 = arith.index_cast %swap3A_534 : i32 to index
      %swap3A_536 = arith.constant 0 : index
      %swap3A_537 = tpu.vector_load %arg12[%swap3A_535, %swap3A_536] {strides = array<i32>} : memref<16x17xf32, #tpu.memory_space<vmem>>, vector<16xf32>,
      tpu.vector_store %arg12[%swap3A_535, %swap3A_536], %add3A_533 {strides = array<i32>} : memref<16x17xf32, #tpu.memory_space<vmem>>, vector<16xf32>,
      %mul3A_538 = arith.constant 16 : i32
      %mul3A_539 = arith.muli %scan3A_265, %mul3A_538 : i32
      %add3A_540 = arith.constant 7 : i32
      %add3A_541 = arith.addi %mul3A_539, %add3A_540 : i32
      %get3A_542 = arith.index_cast %add3A_541 : i32 to index
      %get3A_543 = arith.constant 0 : index
      %get3A_544 = tpu.vector_load %arg9[%get3A_542, %get3A_543] {strides = array<i32>} : memref<512x64xf32, #tpu.memory_space<vmem>>, vector<16xf32>,
      %get3A_545 = arith.index_cast %add3A_541 : i32 to index
      %get3A_546 = arith.constant 0 : index
      %get3A_547 = tpu.vector_load %arg10[%get3A_545, %get3A_546] {strides = array<i32>} : memref<512x64xf32, #tpu.memory_space<vmem>>, vector<16xf32>,
      %mul3A_548 = arith.mulf %get3A_544, %get3A_547 : vector<16xf32>
      %get3A_549 = arith.index_cast %add3A_541 : i32 to index
      %get3A_550 = arith.constant 16 : index
      %get3A_551 = tpu.vector_load %arg9[%get3A_549, %get3A_550] {strides = array<i32>} : memref<512x64xf32, #tpu.memory_space<vmem>>, vector<16xf32>,
      %get3A_552 = arith.index_cast %add3A_541 : i32 to index
      %get3A_553 = arith.constant 16 : index
      %get3A_554 = tpu.vector_load %arg10[%get3A_552, %get3A_553] {strides = array<i32>} : memref<512x64xf32, #tpu.memory_space<vmem>>, vector<16xf32>,
      %mul3A_555 = arith.mulf %get3A_551, %get3A_554 : vector<16xf32>
      %add3A_556 = arith.addf %mul3A_548, %mul3A_555 : vector<16xf32>
      %get3A_557 = arith.index_cast %add3A_541 : i32 to index
      %get3A_558 = arith.constant 32 : index
      %get3A_559 = tpu.vector_load %arg9[%get3A_557, %get3A_558] {strides = array<i32>} : memref<512x64xf32, #tpu.memory_space<vmem>>, vector<16xf32>,
      %get3A_560 = arith.index_cast %add3A_541 : i32 to index
      %get3A_561 = arith.constant 32 : index
      %get3A_562 = tpu.vector_load %arg10[%get3A_560, %get3A_561] {strides = array<i32>} : memref<512x64xf32, #tpu.memory_space<vmem>>, vector<16xf32>,
      %mul3A_563 = arith.mulf %get3A_559, %get3A_562 : vector<16xf32>
      %add3A_564 = arith.addf %add3A_556, %mul3A_563 : vector<16xf32>
      %get3A_565 = arith.index_cast %add3A_541 : i32 to index
      %get3A_566 = arith.constant 48 : index
      %get3A_567 = tpu.vector_load %arg9[%get3A_565, %get3A_566] {strides = array<i32>} : memref<512x64xf32, #tpu.memory_space<vmem>>, vector<16xf32>,
      %get3A_568 = arith.index_cast %add3A_541 : i32 to index
      %get3A_569 = arith.constant 48 : index
      %get3A_570 = tpu.vector_load %arg10[%get3A_568, %get3A_569] {strides = array<i32>} : memref<512x64xf32, #tpu.memory_space<vmem>>, vector<16xf32>,
      %mul3A_571 = arith.mulf %get3A_567, %get3A_570 : vector<16xf32>
      %add3A_572 = arith.addf %add3A_564, %mul3A_571 : vector<16xf32>
      %swap3A_573 = arith.constant 7 : i32
      %swap3A_574 = arith.index_cast %swap3A_573 : i32 to index
      %swap3A_575 = arith.constant 0 : index
      %swap3A_576 = tpu.vector_load %arg12[%swap3A_574, %swap3A_575] {strides = array<i32>} : memref<16x17xf32, #tpu.memory_space<vmem>>, vector<16xf32>,
      tpu.vector_store %arg12[%swap3A_574, %swap3A_575], %add3A_572 {strides = array<i32>} : memref<16x17xf32, #tpu.memory_space<vmem>>, vector<16xf32>,
      %mul3A_577 = arith.constant 16 : i32
      %mul3A_578 = arith.muli %scan3A_265, %mul3A_577 : i32
      %add3A_579 = arith.constant 8 : i32
      %add3A_580 = arith.addi %mul3A_578, %add3A_579 : i32
      %get3A_581 = arith.index_cast %add3A_580 : i32 to index
      %get3A_582 = arith.constant 0 : index
      %get3A_583 = tpu.vector_load %arg9[%get3A_581, %get3A_582] {strides = array<i32>} : memref<512x64xf32, #tpu.memory_space<vmem>>, vector<16xf32>,
      %get3A_584 = arith.index_cast %add3A_580 : i32 to index
      %get3A_585 = arith.constant 0 : index
      %get3A_586 = tpu.vector_load %arg10[%get3A_584, %get3A_585] {strides = array<i32>} : memref<512x64xf32, #tpu.memory_space<vmem>>, vector<16xf32>,
      %mul3A_587 = arith.mulf %get3A_583, %get3A_586 : vector<16xf32>
      %get3A_588 = arith.index_cast %add3A_580 : i32 to index
      %get3A_589 = arith.constant 16 : index
      %get3A_590 = tpu.vector_load %arg9[%get3A_588, %get3A_589] {strides = array<i32>} : memref<512x64xf32, #tpu.memory_space<vmem>>, vector<16xf32>,
      %get3A_591 = arith.index_cast %add3A_580 : i32 to index
      %get3A_592 = arith.constant 16 : index
      %get3A_593 = tpu.vector_load %arg10[%get3A_591, %get3A_592] {strides = array<i32>} : memref<512x64xf32, #tpu.memory_space<vmem>>, vector<16xf32>,
      %mul3A_594 = arith.mulf %get3A_590, %get3A_593 : vector<16xf32>
      %add3A_595 = arith.addf %mul3A_587, %mul3A_594 : vector<16xf32>
      %get3A_596 = arith.index_cast %add3A_580 : i32 to index
      %get3A_597 = arith.constant 32 : index
      %get3A_598 = tpu.vector_load %arg9[%get3A_596, %get3A_597] {strides = array<i32>} : memref<512x64xf32, #tpu.memory_space<vmem>>, vector<16xf32>,
      %get3A_599 = arith.index_cast %add3A_580 : i32 to index
      %get3A_600 = arith.constant 32 : index
      %get3A_601 = tpu.vector_load %arg10[%get3A_599, %get3A_600] {strides = array<i32>} : memref<512x64xf32, #tpu.memory_space<vmem>>, vector<16xf32>,
      %mul3A_602 = arith.mulf %get3A_598, %get3A_601 : vector<16xf32>
      %add3A_603 = arith.addf %add3A_595, %mul3A_602 : vector<16xf32>
      %get3A_604 = arith.index_cast %add3A_580 : i32 to index
      %get3A_605 = arith.constant 48 : index
      %get3A_606 = tpu.vector_load %arg9[%get3A_604, %get3A_605] {strides = array<i32>} : memref<512x64xf32, #tpu.memory_space<vmem>>, vector<16xf32>,
      %get3A_607 = arith.index_cast %add3A_580 : i32 to index
      %get3A_608 = arith.constant 48 : index
      %get3A_609 = tpu.vector_load %arg10[%get3A_607, %get3A_608] {strides = array<i32>} : memref<512x64xf32, #tpu.memory_space<vmem>>, vector<16xf32>,
      %mul3A_610 = arith.mulf %get3A_606, %get3A_609 : vector<16xf32>
      %add3A_611 = arith.addf %add3A_603, %mul3A_610 : vector<16xf32>
      %swap3A_612 = arith.constant 8 : i32
      %swap3A_613 = arith.index_cast %swap3A_612 : i32 to index
      %swap3A_614 = arith.constant 0 : index
      %swap3A_615 = tpu.vector_load %arg12[%swap3A_613, %swap3A_614] {strides = array<i32>} : memref<16x17xf32, #tpu.memory_space<vmem>>, vector<16xf32>,
      tpu.vector_store %arg12[%swap3A_613, %swap3A_614], %add3A_611 {strides = array<i32>} : memref<16x17xf32, #tpu.memory_space<vmem>>, vector<16xf32>,
      %mul3A_616 = arith.constant 16 : i32
      %mul3A_617 = arith.muli %scan3A_265, %mul3A_616 : i32
      %add3A_618 = arith.constant 9 : i32
      %add3A_619 = arith.addi %mul3A_617, %add3A_618 : i32
      %get3A_620 = arith.index_cast %add3A_619 : i32 to index
      %get3A_621 = arith.constant 0 : index
      %get3A_622 = tpu.vector_load %arg9[%get3A_620, %get3A_621] {strides = array<i32>} : memref<512x64xf32, #tpu.memory_space<vmem>>, vector<16xf32>,
      %get3A_623 = arith.index_cast %add3A_619 : i32 to index
      %get3A_624 = arith.constant 0 : index
      %get3A_625 = tpu.vector_load %arg10[%get3A_623, %get3A_624] {strides = array<i32>} : memref<512x64xf32, #tpu.memory_space<vmem>>, vector<16xf32>,
      %mul3A_626 = arith.mulf %get3A_622, %get3A_625 : vector<16xf32>
      %get3A_627 = arith.index_cast %add3A_619 : i32 to index
      %get3A_628 = arith.constant 16 : index
      %get3A_629 = tpu.vector_load %arg9[%get3A_627, %get3A_628] {strides = array<i32>} : memref<512x64xf32, #tpu.memory_space<vmem>>, vector<16xf32>,
      %get3A_630 = arith.index_cast %add3A_619 : i32 to index
      %get3A_631 = arith.constant 16 : index
      %get3A_632 = tpu.vector_load %arg10[%get3A_630, %get3A_631] {strides = array<i32>} : memref<512x64xf32, #tpu.memory_space<vmem>>, vector<16xf32>,
      %mul3A_633 = arith.mulf %get3A_629, %get3A_632 : vector<16xf32>
      %add3A_634 = arith.addf %mul3A_626, %mul3A_633 : vector<16xf32>
      %get3A_635 = arith.index_cast %add3A_619 : i32 to index
      %get3A_636 = arith.constant 32 : index
      %get3A_637 = tpu.vector_load %arg9[%get3A_635, %get3A_636] {strides = array<i32>} : memref<512x64xf32, #tpu.memory_space<vmem>>, vector<16xf32>,
      %get3A_638 = arith.index_cast %add3A_619 : i32 to index
      %get3A_639 = arith.constant 32 : index
      %get3A_640 = tpu.vector_load %arg10[%get3A_638, %get3A_639] {strides = array<i32>} : memref<512x64xf32, #tpu.memory_space<vmem>>, vector<16xf32>,
      %mul3A_641 = arith.mulf %get3A_637, %get3A_640 : vector<16xf32>
      %add3A_642 = arith.addf %add3A_634, %mul3A_641 : vector<16xf32>
      %get3A_643 = arith.index_cast %add3A_619 : i32 to index
      %get3A_644 = arith.constant 48 : index
      %get3A_645 = tpu.vector_load %arg9[%get3A_643, %get3A_644] {strides = array<i32>} : memref<512x64xf32, #tpu.memory_space<vmem>>, vector<16xf32>,
      %get3A_646 = arith.index_cast %add3A_619 : i32 to index
      %get3A_647 = arith.constant 48 : index
      %get3A_648 = tpu.vector_load %arg10[%get3A_646, %get3A_647] {strides = array<i32>} : memref<512x64xf32, #tpu.memory_space<vmem>>, vector<16xf32>,
      %mul3A_649 = arith.mulf %get3A_645, %get3A_648 : vector<16xf32>
      %add3A_650 = arith.addf %add3A_642, %mul3A_649 : vector<16xf32>
      %swap3A_651 = arith.constant 9 : i32
      %swap3A_652 = arith.index_cast %swap3A_651 : i32 to index
      %swap3A_653 = arith.constant 0 : index
      %swap3A_654 = tpu.vector_load %arg12[%swap3A_652, %swap3A_653] {strides = array<i32>} : memref<16x17xf32, #tpu.memory_space<vmem>>, vector<16xf32>,
      tpu.vector_store %arg12[%swap3A_652, %swap3A_653], %add3A_650 {strides = array<i32>} : memref<16x17xf32, #tpu.memory_space<vmem>>, vector<16xf32>,
      %mul3A_655 = arith.constant 16 : i32
      %mul3A_656 = arith.muli %scan3A_265, %mul3A_655 : i32
      %add3A_657 = arith.constant 10 : i32
      %add3A_658 = arith.addi %mul3A_656, %add3A_657 : i32
      %get3A_659 = arith.index_cast %add3A_658 : i32 to index
      %get3A_660 = arith.constant 0 : index
      %get3A_661 = tpu.vector_load %arg9[%get3A_659, %get3A_660] {strides = array<i32>} : memref<512x64xf32, #tpu.memory_space<vmem>>, vector<16xf32>,
      %get3A_662 = arith.index_cast %add3A_658 : i32 to index
      %get3A_663 = arith.constant 0 : index
      %get3A_664 = tpu.vector_load %arg10[%get3A_662, %get3A_663] {strides = array<i32>} : memref<512x64xf32, #tpu.memory_space<vmem>>, vector<16xf32>,
      %mul3A_665 = arith.mulf %get3A_661, %get3A_664 : vector<16xf32>
      %get3A_666 = arith.index_cast %add3A_658 : i32 to index
      %get3A_667 = arith.constant 16 : index
      %get3A_668 = tpu.vector_load %arg9[%get3A_666, %get3A_667] {strides = array<i32>} : memref<512x64xf32, #tpu.memory_space<vmem>>, vector<16xf32>,
      %get3A_669 = arith.index_cast %add3A_658 : i32 to index
      %get3A_670 = arith.constant 16 : index
      %get3A_671 = tpu.vector_load %arg10[%get3A_669, %get3A_670] {strides = array<i32>} : memref<512x64xf32, #tpu.memory_space<vmem>>, vector<16xf32>,
      %mul3A_672 = arith.mulf %get3A_668, %get3A_671 : vector<16xf32>
      %add3A_673 = arith.addf %mul3A_665, %mul3A_672 : vector<16xf32>
      %get3A_674 = arith.index_cast %add3A_658 : i32 to index
      %get3A_675 = arith.constant 32 : index
      %get3A_676 = tpu.vector_load %arg9[%get3A_674, %get3A_675] {strides = array<i32>} : memref<512x64xf32, #tpu.memory_space<vmem>>, vector<16xf32>,
      %get3A_677 = arith.index_cast %add3A_658 : i32 to index
      %get3A_678 = arith.constant 32 : index
      %get3A_679 = tpu.vector_load %arg10[%get3A_677, %get3A_678] {strides = array<i32>} : memref<512x64xf32, #tpu.memory_space<vmem>>, vector<16xf32>,
      %mul3A_680 = arith.mulf %get3A_676, %get3A_679 : vector<16xf32>
      %add3A_681 = arith.addf %add3A_673, %mul3A_680 : vector<16xf32>
      %get3A_682 = arith.index_cast %add3A_658 : i32 to index
      %get3A_683 = arith.constant 48 : index
      %get3A_684 = tpu.vector_load %arg9[%get3A_682, %get3A_683] {strides = array<i32>} : memref<512x64xf32, #tpu.memory_space<vmem>>, vector<16xf32>,
      %get3A_685 = arith.index_cast %add3A_658 : i32 to index
      %get3A_686 = arith.constant 48 : index
      %get3A_687 = tpu.vector_load %arg10[%get3A_685, %get3A_686] {strides = array<i32>} : memref<512x64xf32, #tpu.memory_space<vmem>>, vector<16xf32>,
      %mul3A_688 = arith.mulf %get3A_684, %get3A_687 : vector<16xf32>
      %add3A_689 = arith.addf %add3A_681, %mul3A_688 : vector<16xf32>
      %swap3A_690 = arith.constant 10 : i32
      %swap3A_691 = arith.index_cast %swap3A_690 : i32 to index
      %swap3A_692 = arith.constant 0 : index
      %swap3A_693 = tpu.vector_load %arg12[%swap3A_691, %swap3A_692] {strides = array<i32>} : memref<16x17xf32, #tpu.memory_space<vmem>>, vector<16xf32>,
      tpu.vector_store %arg12[%swap3A_691, %swap3A_692], %add3A_689 {strides = array<i32>} : memref<16x17xf32, #tpu.memory_space<vmem>>, vector<16xf32>,
      %mul3A_694 = arith.constant 16 : i32
      %mul3A_695 = arith.muli %scan3A_265, %mul3A_694 : i32
      %add3A_696 = arith.constant 11 : i32
      %add3A_697 = arith.addi %mul3A_695, %add3A_696 : i32
      %get3A_698 = arith.index_cast %add3A_697 : i32 to index
      %get3A_699 = arith.constant 0 : index
      %get3A_700 = tpu.vector_load %arg9[%get3A_698, %get3A_699] {strides = array<i32>} : memref<512x64xf32, #tpu.memory_space<vmem>>, vector<16xf32>,
      %get3A_701 = arith.index_cast %add3A_697 : i32 to index
      %get3A_702 = arith.constant 0 : index
      %get3A_703 = tpu.vector_load %arg10[%get3A_701, %get3A_702] {strides = array<i32>} : memref<512x64xf32, #tpu.memory_space<vmem>>, vector<16xf32>,
      %mul3A_704 = arith.mulf %get3A_700, %get3A_703 : vector<16xf32>
      %get3A_705 = arith.index_cast %add3A_697 : i32 to index
      %get3A_706 = arith.constant 16 : index
      %get3A_707 = tpu.vector_load %arg9[%get3A_705, %get3A_706] {strides = array<i32>} : memref<512x64xf32, #tpu.memory_space<vmem>>, vector<16xf32>,
      %get3A_708 = arith.index_cast %add3A_697 : i32 to index
      %get3A_709 = arith.constant 16 : index
      %get3A_710 = tpu.vector_load %arg10[%get3A_708, %get3A_709] {strides = array<i32>} : memref<512x64xf32, #tpu.memory_space<vmem>>, vector<16xf32>,
      %mul3A_711 = arith.mulf %get3A_707, %get3A_710 : vector<16xf32>
      %add3A_712 = arith.addf %mul3A_704, %mul3A_711 : vector<16xf32>
      %get3A_713 = arith.index_cast %add3A_697 : i32 to index
      %get3A_714 = arith.constant 32 : index
      %get3A_715 = tpu.vector_load %arg9[%get3A_713, %get3A_714] {strides = array<i32>} : memref<512x64xf32, #tpu.memory_space<vmem>>, vector<16xf32>,
      %get3A_716 = arith.index_cast %add3A_697 : i32 to index
      %get3A_717 = arith.constant 32 : index
      %get3A_718 = tpu.vector_load %arg10[%get3A_716, %get3A_717] {strides = array<i32>} : memref<512x64xf32, #tpu.memory_space<vmem>>, vector<16xf32>,
      %mul3A_719 = arith.mulf %get3A_715, %get3A_718 : vector<16xf32>
      %add3A_720 = arith.addf %add3A_712, %mul3A_719 : vector<16xf32>
      %get3A_721 = arith.index_cast %add3A_697 : i32 to index
      %get3A_722 = arith.constant 48 : index
      %get3A_723 = tpu.vector_load %arg9[%get3A_721, %get3A_722] {strides = array<i32>} : memref<512x64xf32, #tpu.memory_space<vmem>>, vector<16xf32>,
      %get3A_724 = arith.index_cast %add3A_697 : i32 to index
      %get3A_725 = arith.constant 48 : index
      %get3A_726 = tpu.vector_load %arg10[%get3A_724, %get3A_725] {strides = array<i32>} : memref<512x64xf32, #tpu.memory_space<vmem>>, vector<16xf32>,
      %mul3A_727 = arith.mulf %get3A_723, %get3A_726 : vector<16xf32>
      %add3A_728 = arith.addf %add3A_720, %mul3A_727 : vector<16xf32>
      %swap3A_729 = arith.constant 11 : i32
      %swap3A_730 = arith.index_cast %swap3A_729 : i32 to index
      %swap3A_731 = arith.constant 0 : index
      %swap3A_732 = tpu.vector_load %arg12[%swap3A_730, %swap3A_731] {strides = array<i32>} : memref<16x17xf32, #tpu.memory_space<vmem>>, vector<16xf32>,
      tpu.vector_store %arg12[%swap3A_730, %swap3A_731], %add3A_728 {strides = array<i32>} : memref<16x17xf32, #tpu.memory_space<vmem>>, vector<16xf32>,
      %mul3A_733 = arith.constant 16 : i32
      %mul3A_734 = arith.muli %scan3A_265, %mul3A_733 : i32
      %add3A_735 = arith.constant 12 : i32
      %add3A_736 = arith.addi %mul3A_734, %add3A_735 : i32
      %get3A_737 = arith.index_cast %add3A_736 : i32 to index
      %get3A_738 = arith.constant 0 : index
      %get3A_739 = tpu.vector_load %arg9[%get3A_737, %get3A_738] {strides = array<i32>} : memref<512x64xf32, #tpu.memory_space<vmem>>, vector<16xf32>,
      %get3A_740 = arith.index_cast %add3A_736 : i32 to index
      %get3A_741 = arith.constant 0 : index
      %get3A_742 = tpu.vector_load %arg10[%get3A_740, %get3A_741] {strides = array<i32>} : memref<512x64xf32, #tpu.memory_space<vmem>>, vector<16xf32>,
      %mul3A_743 = arith.mulf %get3A_739, %get3A_742 : vector<16xf32>
      %get3A_744 = arith.index_cast %add3A_736 : i32 to index
      %get3A_745 = arith.constant 16 : index
      %get3A_746 = tpu.vector_load %arg9[%get3A_744, %get3A_745] {strides = array<i32>} : memref<512x64xf32, #tpu.memory_space<vmem>>, vector<16xf32>,
      %get3A_747 = arith.index_cast %add3A_736 : i32 to index
      %get3A_748 = arith.constant 16 : index
      %get3A_749 = tpu.vector_load %arg10[%get3A_747, %get3A_748] {strides = array<i32>} : memref<512x64xf32, #tpu.memory_space<vmem>>, vector<16xf32>,
      %mul3A_750 = arith.mulf %get3A_746, %get3A_749 : vector<16xf32>
      %add3A_751 = arith.addf %mul3A_743, %mul3A_750 : vector<16xf32>
      %get3A_752 = arith.index_cast %add3A_736 : i32 to index
      %get3A_753 = arith.constant 32 : index
      %get3A_754 = tpu.vector_load %arg9[%get3A_752, %get3A_753] {strides = array<i32>} : memref<512x64xf32, #tpu.memory_space<vmem>>, vector<16xf32>,
      %get3A_755 = arith.index_cast %add3A_736 : i32 to index
      %get3A_756 = arith.constant 32 : index
      %get3A_757 = tpu.vector_load %arg10[%get3A_755, %get3A_756] {strides = array<i32>} : memref<512x64xf32, #tpu.memory_space<vmem>>, vector<16xf32>,
      %mul3A_758 = arith.mulf %get3A_754, %get3A_757 : vector<16xf32>
      %add3A_759 = arith.addf %add3A_751, %mul3A_758 : vector<16xf32>
      %get3A_760 = arith.index_cast %add3A_736 : i32 to index
      %get3A_761 = arith.constant 48 : index
      %get3A_762 = tpu.vector_load %arg9[%get3A_760, %get3A_761] {strides = array<i32>} : memref<512x64xf32, #tpu.memory_space<vmem>>, vector<16xf32>,
      %get3A_763 = arith.index_cast %add3A_736 : i32 to index
      %get3A_764 = arith.constant 48 : index
      %get3A_765 = tpu.vector_load %arg10[%get3A_763, %get3A_764] {strides = array<i32>} : memref<512x64xf32, #tpu.memory_space<vmem>>, vector<16xf32>,
      %mul3A_766 = arith.mulf %get3A_762, %get3A_765 : vector<16xf32>
      %add3A_767 = arith.addf %add3A_759, %mul3A_766 : vector<16xf32>
      %swap3A_768 = arith.constant 12 : i32
      %swap3A_769 = arith.index_cast %swap3A_768 : i32 to index
      %swap3A_770 = arith.constant 0 : index
      %swap3A_771 = tpu.vector_load %arg12[%swap3A_769, %swap3A_770] {strides = array<i32>} : memref<16x17xf32, #tpu.memory_space<vmem>>, vector<16xf32>,
      tpu.vector_store %arg12[%swap3A_769, %swap3A_770], %add3A_767 {strides = array<i32>} : memref<16x17xf32, #tpu.memory_space<vmem>>, vector<16xf32>,
      %mul3A_772 = arith.constant 16 : i32
      %mul3A_773 = arith.muli %scan3A_265, %mul3A_772 : i32
      %add3A_774 = arith.constant 13 : i32
      %add3A_775 = arith.addi %mul3A_773, %add3A_774 : i32
      %get3A_776 = arith.index_cast %add3A_775 : i32 to index
      %get3A_777 = arith.constant 0 : index
      %get3A_778 = tpu.vector_load %arg9[%get3A_776, %get3A_777] {strides = array<i32>} : memref<512x64xf32, #tpu.memory_space<vmem>>, vector<16xf32>,
      %get3A_779 = arith.index_cast %add3A_775 : i32 to index
      %get3A_780 = arith.constant 0 : index
      %get3A_781 = tpu.vector_load %arg10[%get3A_779, %get3A_780] {strides = array<i32>} : memref<512x64xf32, #tpu.memory_space<vmem>>, vector<16xf32>,
      %mul3A_782 = arith.mulf %get3A_778, %get3A_781 : vector<16xf32>
      %get3A_783 = arith.index_cast %add3A_775 : i32 to index
      %get3A_784 = arith.constant 16 : index
      %get3A_785 = tpu.vector_load %arg9[%get3A_783, %get3A_784] {strides = array<i32>} : memref<512x64xf32, #tpu.memory_space<vmem>>, vector<16xf32>,
      %get3A_786 = arith.index_cast %add3A_775 : i32 to index
      %get3A_787 = arith.constant 16 : index
      %get3A_788 = tpu.vector_load %arg10[%get3A_786, %get3A_787] {strides = array<i32>} : memref<512x64xf32, #tpu.memory_space<vmem>>, vector<16xf32>,
      %mul3A_789 = arith.mulf %get3A_785, %get3A_788 : vector<16xf32>
      %add3A_790 = arith.addf %mul3A_782, %mul3A_789 : vector<16xf32>
      %get3A_791 = arith.index_cast %add3A_775 : i32 to index
      %get3A_792 = arith.constant 32 : index
      %get3A_793 = tpu.vector_load %arg9[%get3A_791, %get3A_792] {strides = array<i32>} : memref<512x64xf32, #tpu.memory_space<vmem>>, vector<16xf32>,
      %get3A_794 = arith.index_cast %add3A_775 : i32 to index
      %get3A_795 = arith.constant 32 : index
      %get3A_796 = tpu.vector_load %arg10[%get3A_794, %get3A_795] {strides = array<i32>} : memref<512x64xf32, #tpu.memory_space<vmem>>, vector<16xf32>,
      %mul3A_797 = arith.mulf %get3A_793, %get3A_796 : vector<16xf32>
      %add3A_798 = arith.addf %add3A_790, %mul3A_797 : vector<16xf32>
      %get3A_799 = arith.index_cast %add3A_775 : i32 to index
      %get3A_800 = arith.constant 48 : index
      %get3A_801 = tpu.vector_load %arg9[%get3A_799, %get3A_800] {strides = array<i32>} : memref<512x64xf32, #tpu.memory_space<vmem>>, vector<16xf32>,
      %get3A_802 = arith.index_cast %add3A_775 : i32 to index
      %get3A_803 = arith.constant 48 : index
      %get3A_804 = tpu.vector_load %arg10[%get3A_802, %get3A_803] {strides = array<i32>} : memref<512x64xf32, #tpu.memory_space<vmem>>, vector<16xf32>,
      %mul3A_805 = arith.mulf %get3A_801, %get3A_804 : vector<16xf32>
      %add3A_806 = arith.addf %add3A_798, %mul3A_805 : vector<16xf32>
      %swap3A_807 = arith.constant 13 : i32
      %swap3A_808 = arith.index_cast %swap3A_807 : i32 to index
      %swap3A_809 = arith.constant 0 : index
      %swap3A_810 = tpu.vector_load %arg12[%swap3A_808, %swap3A_809] {strides = array<i32>} : memref<16x17xf32, #tpu.memory_space<vmem>>, vector<16xf32>,
      tpu.vector_store %arg12[%swap3A_808, %swap3A_809], %add3A_806 {strides = array<i32>} : memref<16x17xf32, #tpu.memory_space<vmem>>, vector<16xf32>,
      %mul3A_811 = arith.constant 16 : i32
      %mul3A_812 = arith.muli %scan3A_265, %mul3A_811 : i32
      %add3A_813 = arith.constant 14 : i32
      %add3A_814 = arith.addi %mul3A_812, %add3A_813 : i32
      %get3A_815 = arith.index_cast %add3A_814 : i32 to index
      %get3A_816 = arith.constant 0 : index
      %get3A_817 = tpu.vector_load %arg9[%get3A_815, %get3A_816] {strides = array<i32>} : memref<512x64xf32, #tpu.memory_space<vmem>>, vector<16xf32>,
      %get3A_818 = arith.index_cast %add3A_814 : i32 to index
      %get3A_819 = arith.constant 0 : index
      %get3A_820 = tpu.vector_load %arg10[%get3A_818, %get3A_819] {strides = array<i32>} : memref<512x64xf32, #tpu.memory_space<vmem>>, vector<16xf32>,
      %mul3A_821 = arith.mulf %get3A_817, %get3A_820 : vector<16xf32>
      %get3A_822 = arith.index_cast %add3A_814 : i32 to index
      %get3A_823 = arith.constant 16 : index
      %get3A_824 = tpu.vector_load %arg9[%get3A_822, %get3A_823] {strides = array<i32>} : memref<512x64xf32, #tpu.memory_space<vmem>>, vector<16xf32>,
      %get3A_825 = arith.index_cast %add3A_814 : i32 to index
      %get3A_826 = arith.constant 16 : index
      %get3A_827 = tpu.vector_load %arg10[%get3A_825, %get3A_826] {strides = array<i32>} : memref<512x64xf32, #tpu.memory_space<vmem>>, vector<16xf32>,
      %mul3A_828 = arith.mulf %get3A_824, %get3A_827 : vector<16xf32>
      %add3A_829 = arith.addf %mul3A_821, %mul3A_828 : vector<16xf32>
      %get3A_830 = arith.index_cast %add3A_814 : i32 to index
      %get3A_831 = arith.constant 32 : index
      %get3A_832 = tpu.vector_load %arg9[%get3A_830, %get3A_831] {strides = array<i32>} : memref<512x64xf32, #tpu.memory_space<vmem>>, vector<16xf32>,
      %get3A_833 = arith.index_cast %add3A_814 : i32 to index
      %get3A_834 = arith.constant 32 : index
      %get3A_835 = tpu.vector_load %arg10[%get3A_833, %get3A_834] {strides = array<i32>} : memref<512x64xf32, #tpu.memory_space<vmem>>, vector<16xf32>,
      %mul3A_836 = arith.mulf %get3A_832, %get3A_835 : vector<16xf32>
      %add3A_837 = arith.addf %add3A_829, %mul3A_836 : vector<16xf32>
      %get3A_838 = arith.index_cast %add3A_814 : i32 to index
      %get3A_839 = arith.constant 48 : index
      %get3A_840 = tpu.vector_load %arg9[%get3A_838, %get3A_839] {strides = array<i32>} : memref<512x64xf32, #tpu.memory_space<vmem>>, vector<16xf32>,
      %get3A_841 = arith.index_cast %add3A_814 : i32 to index
      %get3A_842 = arith.constant 48 : index
      %get3A_843 = tpu.vector_load %arg10[%get3A_841, %get3A_842] {strides = array<i32>} : memref<512x64xf32, #tpu.memory_space<vmem>>, vector<16xf32>,
      %mul3A_844 = arith.mulf %get3A_840, %get3A_843 : vector<16xf32>
      %add3A_845 = arith.addf %add3A_837, %mul3A_844 : vector<16xf32>
      %swap3A_846 = arith.constant 14 : i32
      %swap3A_847 = arith.index_cast %swap3A_846 : i32 to index
      %swap3A_848 = arith.constant 0 : index
      %swap3A_849 = tpu.vector_load %arg12[%swap3A_847, %swap3A_848] {strides = array<i32>} : memref<16x17xf32, #tpu.memory_space<vmem>>, vector<16xf32>,
      tpu.vector_store %arg12[%swap3A_847, %swap3A_848], %add3A_845 {strides = array<i32>} : memref<16x17xf32, #tpu.memory_space<vmem>>, vector<16xf32>,
      %mul3A_850 = arith.constant 16 : i32
      %mul3A_851 = arith.muli %scan3A_265, %mul3A_850 : i32
      %add3A_852 = arith.constant 15 : i32
      %add3A_853 = arith.addi %mul3A_851, %add3A_852 : i32
      %get3A_854 = arith.index_cast %add3A_853 : i32 to index
      %get3A_855 = arith.constant 0 : index
      %get3A_856 = tpu.vector_load %arg9[%get3A_854, %get3A_855] {strides = array<i32>} : memref<512x64xf32, #tpu.memory_space<vmem>>, vector<16xf32>,
      %get3A_857 = arith.index_cast %add3A_853 : i32 to index
      %get3A_858 = arith.constant 0 : index
      %get3A_859 = tpu.vector_load %arg10[%get3A_857, %get3A_858] {strides = array<i32>} : memref<512x64xf32, #tpu.memory_space<vmem>>, vector<16xf32>,
      %mul3A_860 = arith.mulf %get3A_856, %get3A_859 : vector<16xf32>
      %get3A_861 = arith.index_cast %add3A_853 : i32 to index
      %get3A_862 = arith.constant 16 : index
      %get3A_863 = tpu.vector_load %arg9[%get3A_861, %get3A_862] {strides = array<i32>} : memref<512x64xf32, #tpu.memory_space<vmem>>, vector<16xf32>,
      %get3A_864 = arith.index_cast %add3A_853 : i32 to index
      %get3A_865 = arith.constant 16 : index
      %get3A_866 = tpu.vector_load %arg10[%get3A_864, %get3A_865] {strides = array<i32>} : memref<512x64xf32, #tpu.memory_space<vmem>>, vector<16xf32>,
      %mul3A_867 = arith.mulf %get3A_863, %get3A_866 : vector<16xf32>
      %add3A_868 = arith.addf %mul3A_860, %mul3A_867 : vector<16xf32>
      %get3A_869 = arith.index_cast %add3A_853 : i32 to index
      %get3A_870 = arith.constant 32 : index
      %get3A_871 = tpu.vector_load %arg9[%get3A_869, %get3A_870] {strides = array<i32>} : memref<512x64xf32, #tpu.memory_space<vmem>>, vector<16xf32>,
      %get3A_872 = arith.index_cast %add3A_853 : i32 to index
      %get3A_873 = arith.constant 32 : index
      %get3A_874 = tpu.vector_load %arg10[%get3A_872, %get3A_873] {strides = array<i32>} : memref<512x64xf32, #tpu.memory_space<vmem>>, vector<16xf32>,
      %mul3A_875 = arith.mulf %get3A_871, %get3A_874 : vector<16xf32>
      %add3A_876 = arith.addf %add3A_868, %mul3A_875 : vector<16xf32>
      %get3A_877 = arith.index_cast %add3A_853 : i32 to index
      %get3A_878 = arith.constant 48 : index
      %get3A_879 = tpu.vector_load %arg9[%get3A_877, %get3A_878] {strides = array<i32>} : memref<512x64xf32, #tpu.memory_space<vmem>>, vector<16xf32>,
      %get3A_880 = arith.index_cast %add3A_853 : i32 to index
      %get3A_881 = arith.constant 48 : index
      %get3A_882 = tpu.vector_load %arg10[%get3A_880, %get3A_881] {strides = array<i32>} : memref<512x64xf32, #tpu.memory_space<vmem>>, vector<16xf32>,
      %mul3A_883 = arith.mulf %get3A_879, %get3A_882 : vector<16xf32>
      %add3A_884 = arith.addf %add3A_876, %mul3A_883 : vector<16xf32>
      %swap3A_885 = arith.constant 15 : i32
      %swap3A_886 = arith.index_cast %swap3A_885 : i32 to index
      %swap3A_887 = arith.constant 0 : index
      %swap3A_888 = tpu.vector_load %arg12[%swap3A_886, %swap3A_887] {strides = array<i32>} : memref<16x17xf32, #tpu.memory_space<vmem>>, vector<16xf32>,
      tpu.vector_store %arg12[%swap3A_886, %swap3A_887], %add3A_884 {strides = array<i32>} : memref<16x17xf32, #tpu.memory_space<vmem>>, vector<16xf32>,
      %gather3A = tpu.vector_load_idx %arg12[%iota3A, %add3A_166] : memref<16x17xf32, #tpu.memory_space<vmem>>[vector<16xi32>, vector<16xi32>], vector<16xf32>,
      %gather3A_889 = tpu.vector_load_idx %arg12[%iota3A, %add3A_172] : memref<16x17xf32, #tpu.memory_space<vmem>>[vector<16xi32>, vector<16xi32>], vector<16xf32>,
      %add3A_890 = arith.addf %gather3A, %gather3A_889 : vector<16xf32>
      %gather3A_891 = tpu.vector_load_idx %arg12[%iota3A, %add3A_178] : memref<16x17xf32, #tpu.memory_space<vmem>>[vector<16xi32>, vector<16xi32>], vector<16xf32>,
      %add3A_892 = arith.addf %add3A_890, %gather3A_891 : vector<16xf32>
      %gather3A_893 = tpu.vector_load_idx %arg12[%iota3A, %add3A_184] : memref<16x17xf32, #tpu.memory_space<vmem>>[vector<16xi32>, vector<16xi32>], vector<16xf32>,
      %add3A_894 = arith.addf %add3A_892, %gather3A_893 : vector<16xf32>
      %gather3A_895 = tpu.vector_load_idx %arg12[%iota3A, %add3A_190] : memref<16x17xf32, #tpu.memory_space<vmem>>[vector<16xi32>, vector<16xi32>], vector<16xf32>,
      %add3A_896 = arith.addf %add3A_894, %gather3A_895 : vector<16xf32>
      %gather3A_897 = tpu.vector_load_idx %arg12[%iota3A, %add3A_196] : memref<16x17xf32, #tpu.memory_space<vmem>>[vector<16xi32>, vector<16xi32>], vector<16xf32>,
      %add3A_898 = arith.addf %add3A_896, %gather3A_897 : vector<16xf32>
      %gather3A_899 = tpu.vector_load_idx %arg12[%iota3A, %add3A_202] : memref<16x17xf32, #tpu.memory_space<vmem>>[vector<16xi32>, vector<16xi32>], vector<16xf32>,
      %add3A_900 = arith.addf %add3A_898, %gather3A_899 : vector<16xf32>
      %gather3A_901 = tpu.vector_load_idx %arg12[%iota3A, %add3A_208] : memref<16x17xf32, #tpu.memory_space<vmem>>[vector<16xi32>, vector<16xi32>], vector<16xf32>,
      %add3A_902 = arith.addf %add3A_900, %gather3A_901 : vector<16xf32>
      %gather3A_903 = tpu.vector_load_idx %arg12[%iota3A, %add3A_214] : memref<16x17xf32, #tpu.memory_space<vmem>>[vector<16xi32>, vector<16xi32>], vector<16xf32>,
      %add3A_904 = arith.addf %add3A_902, %gather3A_903 : vector<16xf32>
      %gather3A_905 = tpu.vector_load_idx %arg12[%iota3A, %add3A_220] : memref<16x17xf32, #tpu.memory_space<vmem>>[vector<16xi32>, vector<16xi32>], vector<16xf32>,
      %add3A_906 = arith.addf %add3A_904, %gather3A_905 : vector<16xf32>
      %gather3A_907 = tpu.vector_load_idx %arg12[%iota3A, %add3A_226] : memref<16x17xf32, #tpu.memory_space<vmem>>[vector<16xi32>, vector<16xi32>], vector<16xf32>,
      %add3A_908 = arith.addf %add3A_906, %gather3A_907 : vector<16xf32>
      %gather3A_909 = tpu.vector_load_idx %arg12[%iota3A, %add3A_232] : memref<16x17xf32, #tpu.memory_space<vmem>>[vector<16xi32>, vector<16xi32>], vector<16xf32>,
      %add3A_910 = arith.addf %add3A_908, %gather3A_909 : vector<16xf32>
      %gather3A_911 = tpu.vector_load_idx %arg12[%iota3A, %add3A_238] : memref<16x17xf32, #tpu.memory_space<vmem>>[vector<16xi32>, vector<16xi32>], vector<16xf32>,
      %add3A_912 = arith.addf %add3A_910, %gather3A_911 : vector<16xf32>
      %gather3A_913 = tpu.vector_load_idx %arg12[%iota3A, %add3A_244] : memref<16x17xf32, #tpu.memory_space<vmem>>[vector<16xi32>, vector<16xi32>], vector<16xf32>,
      %add3A_914 = arith.addf %add3A_912, %gather3A_913 : vector<16xf32>
      %gather3A_915 = tpu.vector_load_idx %arg12[%iota3A, %add3A_250] : memref<16x17xf32, #tpu.memory_space<vmem>>[vector<16xi32>, vector<16xi32>], vector<16xf32>,
      %add3A_916 = arith.addf %add3A_914, %gather3A_915 : vector<16xf32>
      %gather3A_917 = tpu.vector_load_idx %arg12[%iota3A, %add3A_256] : memref<16x17xf32, #tpu.memory_space<vmem>>[vector<16xi32>, vector<16xi32>], vector<16xf32>,
      %add3A_918 = arith.addf %add3A_916, %gather3A_917 : vector<16xf32>
      %mul3A_919 = arith.constant 16 : i32
      %mul3A_920 = arith.muli %scan3A_265, %mul3A_919 : i32
      %swap3A_921 = arith.index_cast %mul3A_920 : i32 to index
      %swap3A_922 = tpu.vector_load %arg11[%swap3A_921] {strides = array<i32>} : memref<512xf32, #tpu.memory_space<vmem>>, vector<16xf32>,
      tpu.vector_store %arg11[%swap3A_921], %add3A_918 {strides = array<i32>} : memref<512xf32, #tpu.memory_space<vmem>>, vector<16xf32>,
      %scan3A_923 = arith.constant 0 : i32
      scf.yield %scan3A_923 : i32
    }
    %scan3A_262 = arith.constant 32 : i32
    %mul3A_263 = arith.constant 512 : i32
    %mul3A_264 = arith.muli %add3A, %mul3A_263 : i32
    "tpu.region"() ({
      %run_scoped3A = tpu.sem_alloc : memref<!tpu.dma_semaphore, #tpu.memory_space<semaphore_mem>>
      %dma_start3A_265 = tpu.memref_slice %arg6[%mul3A_264] : memref<16384xf32, #tpu.memory_space<hbm>> -> memref<512xf32, #tpu.memory_space<hbm>>
      %dma_start3A_266 = tpu.memref_slice %arg6[%mul3A_264] : memref<16384xf32, #tpu.memory_space<hbm>> -> memref<512xf32, #tpu.memory_space<hbm>>
      tpu.enqueue_dma source(%arg11 : memref<512xf32, #tpu.memory_space<vmem>>) target(%dma_start3A_266 : memref<512xf32, #tpu.memory_space<hbm>>) target_semaphore(%run_scoped3A : memref<!tpu.dma_semaphore, #tpu.memory_space<semaphore_mem>>)
      %dma_wait3A_267 = tpu.memref_slice %arg6[%mul3A_264] : memref<16384xf32, #tpu.memory_space<hbm>> -> memref<512xf32, #tpu.memory_space<hbm>>
      %dma_wait3A_268 = tpu.memref_slice %arg6[%mul3A_264] : memref<16384xf32, #tpu.memory_space<hbm>> -> memref<512xf32, #tpu.memory_space<hbm>>
      tpu.wait_dma2 semaphore(%run_scoped3A : memref<!tpu.dma_semaphore, #tpu.memory_space<semaphore_mem>>) src(%arg11 : memref<512xf32, #tpu.memory_space<vmem>>) dst(%dma_wait3A_268 : memref<512xf32, #tpu.memory_space<hbm>>)
      tpu.yield
    }) : () -> ()
    return
  }
}

module attributes {stable_mosaic.version = 14 : i64} {
  func.func @_loss_body(%arg0: memref<128x128xf32, #tpu.memory_space<vmem>>, %arg1: memref<128x128xf32, #tpu.memory_space<vmem>>, %arg2: memref<1x1xf32, #tpu.memory_space<vmem>>) attributes {dimension_semantics = [], scalar_prefetch = 0 : i64, scratch_operands = 0 : i64, tpu.core_type = #tpu.core_type<tc>} {
    %get3A = arith.constant 0 : index
    %get3A_0 = arith.constant 0 : index
    %get3A_1 = vector.load %arg0[%get3A, %get3A_0] : memref<128x128xf32, #tpu.memory_space<vmem>>, vector<128x128xf32>
    %get3A_2 = arith.constant 0 : index
    %get3A_3 = arith.constant 0 : index
    %get3A_4 = vector.load %arg1[%get3A_2, %get3A_3] : memref<128x128xf32, #tpu.memory_space<vmem>>, vector<128x128xf32>
    %mul3A = arith.mulf %get3A_1, %get3A_4 : vector<128x128xf32>
    %min3A = arith.constant 0.000000e+00 : f32
    %min3A_5 = vector.broadcast %min3A : f32 to vector<128x128xf32>
    %min3A_6 = arith.minimumf %mul3A, %min3A_5 : vector<128x128xf32>
    %abs3A = math.absf %mul3A : vector<128x128xf32>
    %neg3A = arith.constant 0.000000e+00 : f32
    %neg3A_7 = vector.broadcast %neg3A : f32 to vector<128x128xf32>
    %neg3A_8 = arith.subf %neg3A_7, %abs3A : vector<128x128xf32>
    %exp3A = math.exp %neg3A_8 : vector<128x128xf32>
    %add3A = arith.constant 1.000000e+00 : f32
    %add3A_9 = vector.broadcast %add3A : f32 to vector<128x128xf32>
    %add3A_10 = arith.addf %add3A_9, %exp3A : vector<128x128xf32>
    %log3A = math.log %add3A_10 : vector<128x128xf32>
    %sub3A = arith.subf %min3A_6, %log3A : vector<128x128xf32>
    %reduce_sum3A = vector.shape_cast %sub3A : vector<128x128xf32> to vector<1x128x128xf32>
    %reduce_sum3A_11 = arith.constant dense<0.000000e+00> : vector<1xf32>
    %reduce_sum3A_12 = vector.multi_reduction <add>, %reduce_sum3A, %reduce_sum3A_11 [1, 2] : vector<1x128x128xf32> to vector<1xf32>
    %reduce_sum3A_13 = vector.shape_cast %reduce_sum3A_12 : vector<1xf32> to vector<1x1x1xf32>
    %reduce_sum3A_14 = vector.extract %reduce_sum3A_13[0, 0, 0] : f32 from vector<1x1x1xf32>
    %neg3A_15 = arith.constant 0.000000e+00 : f32
    %neg3A_16 = arith.subf %neg3A_15, %reduce_sum3A_14 : f32
    %reshape3A = vector.broadcast %neg3A_16 : f32 to vector<1x1xf32>
    %swap3A = arith.constant 0 : index
    %swap3A_17 = arith.constant 0 : index
    %swap3A_18 = vector.load %arg2[%swap3A, %swap3A_17] : memref<1x1xf32, #tpu.memory_space<vmem>>, vector<1x1xf32>
    tpu.vector_store %arg2[%swap3A, %swap3A_17], %reshape3A {strides = array<i32>} : memref<1x1xf32, #tpu.memory_space<vmem>>, vector<1x1xf32>,
    return
  }
}

</mosaic_0001>

<sc_bundles>
// kernel: kernel.4.cloned.1.call-start
scs
__scs_entry_jumppad:
0x0: {  	(pc) =	sbr.rel $0x88, $3  }
0x1: {  	(tag) =	ssettag $0x0;
	lr =	simm.s32 $0x1  }
0x2: {  	[smem:$0x3F9C] =	sst lr;
	_ =	strace $0xD0000000  }
0x3: {  	_ = 	snop  }
0x4: {  	_ = 	snop  }
0x5: {  	_ = 	snop  }
0x6: {  	_ = 	snop  }
0x7: {  	_ = 	snop  }
__scs_overlays_trampoline_lowered:
0x8: {  	[smem:$0x3FAB] =	sst s0  }
0x9: {  	[smem:$0x3FAC] =	sst s1  }
0xa: {  	[smem:$0x3FAD] =	sst s2  }
0xb: {  	[smem:$0x3FAE] =	sst s3  }
0xc: {  	[smem:$0x3FAF] =	sst s4  }
0xd: {  	[smem:$0x3FB0] =	sst s5  }
0xe: {  	[smem:$0x3FB1] =	sst s6  }
0xf: {  	[smem:$0x3FB2] =	sst s7  }
0x10: {  	[smem:$0x3FB3] =	sst s8  }
0x11: {  	[smem:$0x3FB4] =	sst s9;
	s0 =	simm.s32 @!p0 $0x0  }
0x12: {  	s1 =	sld [smem:$0x3F9A];
	s0 =	simm.s32 @p0 $0x1  }
0x13: {  	[smem:$0x3FB5] =	sst s0;
	s0 =	simm.s32 @!p1 $0x0  }
0x14: {  	s2 =	sld [smem:$0x3F99];
	s0 =	simm.s32 @p1 $0x1  }
0x15: {  	[smem:$0x3FB6] =	sst s0;
	s0 =	simm.s32 @!p2 $0x0  }
0x16: {  	s3 =	sld [smem:$0x3FDB];
	s0 =	simm.s32 @p2 $0x1  }
0x17: {  	s4 =	simm.s32 $0x1BF5;
	[smem:$0x3FB8] =	sst s0  }
0x18: {  	s0 =	sld [smem:$0x3F9B];
	_ =	swait.ge [sflag:s4], $0x0  }
0x19: {  	s7 =	sld [smem:$0x3F9C]  }
0x1a: {  	s8 =	sadd.s32 $0xFFFFE003, lr  }
0x1b: {  	s9 =	sadd.s32 $0xFFFFFEF7, lr;
	s5 =	simm.s32 $0xFFFFFFFF;
	p2 =	slt.u32 s8, $0xFFFFF086  }
0x1c: {  	p1 =	slt.u32 s9, $0xF7A;
	s5 =	simm.s32 @!p2 $0x0  }
0x1d: {  	s5 =	simm.s32 @p1 $0x1;
	p0 =	seq.s32 s7, s2  }
0x1e: {  	s7 =	smul.u32 @!p0 $0xF7A, s2;
	p2 =	seq.s32 @!p0 s5, $0x0  }
0x1f: {  	s9 =	smul.u32 $0xF7A, s1;
	s8 =	simm.s32 @!p0 $0x1BF5;
	p2 =	por !p2, p0  }
0x20: {  	[sflag:s8] =	ssyncset.s32 @!p0 $0xFFFFF086;
	s6 =	sadd.s32 @!p0 s3, s7;
	s7 =	simm.s32 @!p0 $0x108  }
0x21: {  	s3 =	sadd.s32 s3, s9;
	s6 =	sadd.s32 @!p0 $0x88, s6;
	s7 =	simm.s32 @p2 $0x1082  }
0x22: {  	[simem:s7], [sflag:s8] =	dma.local @!p0 [hbm:s6], $0xF7A  }
0x23: {  	s9 =	sor.u32 $0xD0000000, s2;
	s6 =	simm.s32 $0x108;
	_ =	swait.ge @!p0 [sflag:s8], $0x0  }
0x24: {  	s3 =	sadd.s32 $0x88, s3;
	s6 =	simm.s32 @!p1 $0x1082;
	[sflag:s4] =	ssyncset.s32 $0xFFFFF086  }
0x25: {  	[simem:s6], [sflag:s4] =	dma.local [hbm:s3], $0xF7A  }
0x26: {  	[smem:$0x3F9C] =	sst s1;
	(tag) =	ssettag s2;
	_ =	strace s9  }
0x27: {  	s1 =	sld [smem:$0x3FAC]  }
0x28: {  	s2 =	sld [smem:$0x3FAD]  }
0x29: {  	s4 =	sld [smem:$0x3FAF]  }
0x2a: {  	p0 =	seq.s32 s5, $0x0;
	s5 =	sld [smem:$0x3FB0]  }
0x2b: {  	s6 =	sld [smem:$0x3FB1]  }
0x2c: {  	s7 =	sld [smem:$0x3FB2]  }
0x2d: {  	s3 =	simm.s32 $0x108;
	s8 =	sld [smem:$0x3FB3]  }
0x2e: {  	s3 =	simm.s32 @!p0 $0x1082;
	s9 =	sld [smem:$0x3FB4]  }
0x2f: {  	lr =	sadd.s32 s0, s3;
	s0 =	sld [smem:$0x3FAB]  }
0x30: {  	s3 =	sld [smem:$0x3FAE]  }
0x31: {  	[smem:$0x3FB7] =	sst s10  }
0x32: {  	s10 =	sld [smem:$0x3FB5];
	_ =	sdelay $0x3  }
0x33: {  	p0 =	seq.s32 s10, $0x1;
	s10 =	sld [smem:$0x3FB7];
	_ =	sdelay $0x3  }
0x34: {  	[smem:$0x3FB7] =	sst s10  }
0x35: {  	s10 =	sld [smem:$0x3FB6];
	_ =	sdelay $0x3  }
0x36: {  	p1 =	seq.s32 s10, $0x1;
	s10 =	sld [smem:$0x3FB7];
	_ =	sdelay $0x3  }
0x37: {  	[smem:$0x3FB7] =	sst s10  }
0x38: {  	s10 =	sld [smem:$0x3FB8]  }
0x39: {  	_ = 	snop;
	(pc) =	sbr.ind lr, $3  }
0x3a: {  	_ = 	snop  }
0x3b: {  	_ = 	snop  }
0x3c: {  	p2 =	seq.s32 s10, $0x1;
	s10 =	sld [smem:$0x3FB7]  }
0x3d: {  	_ =	shalt  }
0x3e: {  	_ =	shalt  }
0x3f: {  	_ =	shalt  }
0x40: {  	_ =	shalt  }
0x41: {  	_ =	shalt  }
0x42: {  	_ =	shalt  }
0x43: {  	_ =	shalt  }
0x44: {  	_ =	shalt  }
0x45: {  	_ =	shalt  }
0x46: {  	_ =	shalt  }
0x47: {  	_ =	shalt  }
0x48: {  	_ =	shalt  }
0x49: {  	_ =	shalt  }
0x4a: {  	_ =	shalt  }
0x4b: {  	_ =	shalt  }
0x4c: {  	_ =	shalt  }
0x4d: {  	_ =	shalt  }
0x4e: {  	_ =	shalt  }
0x4f: {  	_ =	shalt  }
0x50: {  	_ =	shalt  }
0x51: {  	_ =	shalt  }
0x52: {  	_ =	shalt  }
0x53: {  	_ =	shalt  }
0x54: {  	_ =	shalt  }
0x55: {  	_ =	shalt  }
0x56: {  	_ =	shalt  }
0x57: {  	_ =	shalt  }
0x58: {  	_ =	shalt  }
0x59: {  	_ =	shalt  }
0x5a: {  	_ =	shalt  }
0x5b: {  	_ =	shalt  }
0x5c: {  	_ =	shalt  }
0x5d: {  	_ =	shalt  }
0x5e: {  	_ =	shalt  }
0x5f: {  	_ =	shalt  }
0x60: {  	_ =	shalt  }
0x61: {  	_ =	shalt  }
0x62: {  	_ =	shalt  }
0x63: {  	_ =	shalt  }
0x64: {  	_ =	shalt  }
0x65: {  	_ =	shalt  }
0x66: {  	_ =	shalt  }
0x67: {  	_ =	shalt  }
0x68: {  	_ =	shalt  }
0x69: {  	_ =	shalt  }
0x6a: {  	_ =	shalt  }
0x6b: {  	_ =	shalt  }
0x6c: {  	_ =	shalt  }
0x6d: {  	_ =	shalt  }
0x6e: {  	_ =	shalt  }
0x6f: {  	_ =	shalt  }
0x70: {  	_ =	shalt  }
0x71: {  	_ =	shalt  }
0x72: {  	_ =	shalt  }
0x73: {  	_ =	shalt  }
0x74: {  	_ =	shalt  }
0x75: {  	_ =	shalt  }
0x76: {  	_ =	shalt  }
0x77: {  	_ =	shalt  }
0x78: {  	_ =	shalt  }
0x79: {  	_ =	shalt  }
0x7a: {  	_ =	shalt  }
0x7b: {  	_ =	shalt  }
0x7c: {  	_ =	shalt  }
0x7d: {  	_ =	shalt  }
0x7e: {  	_ =	shalt  }
0x7f: {  	_ =	shalt  }
0x80: {  	_ =	shalt  }
0x81: {  	_ =	shalt  }
0x82: {  	_ =	shalt  }
0x83: {  	_ =	shalt  }
0x84: {  	_ =	shalt  }
0x85: {  	_ =	shalt  }
0x86: {  	_ =	shalt  }
0x87: {  	_ =	shalt  }
.Lfunc_end0:
.L_simem_size_0:
called_computation_lowered:
.L_overlay_start_0:
0x88: {  	s2 =	sld [smem:$0x3FD9]  }
0x89: {  	s3 =	sld [smem:$0x3FFE];
	_ =	sdelay $0x1  }
0x8a: {  	s1 =	srdreg.scid  }
0x8b: {  	s0 =	sand.u32 $0x1, s1  }
0x8c: {  	s17 =	sshll.u32 s0, $0xA;
	s2 =	sadd.s32 s3, s2  }
0x8d: {  	s2 =	sadd.s32 s2, s17  }
0x8e: {  	[smem:$0x3FC3] =	sst s2  }
0x8f: {  	_ = 	snop  }
0x90: {  	s2 =	sld [smem:$0x3FC9]  }
0x91: {  	s18 =	sld [smem:$0x3FC8];
	(tm) =	ssettm $0x1  }
0x92: {  	s4 =	sld [smem:$0x3FFB];
	_ =	sdelay $0x3  }
0x93: {  	_ =	strace s4  }
0x94: {  	s4 =	sld [smem:$0x3FFC];
	_ =	sdelay $0x3  }
0x95: {  	_ =	strace s4  }
0x96: {  	s4 =	sld [smem:$0x3FFD];
	_ =	sdelay $0x3  }
0x97: {  	_ =	strace s4  }
0x98: {  	_ =	strace $0x8FFFFFFF  }
0x99: {  	s19 =	sld [smem:$0x3FDB];
	_ =	sdelay $0x1  }
0x9a: {  	s5 =	simm.s32 $_scs_section_size  }
0x9b: {  	s6 =	simm.s32 $_size__tile_overlayer_lowered;
	s7 =	simm.s32 $_tile_overlayer_lowered  }
0x9c: {  	s22 =	simm.s32 $0x1BFF;
	s21 =	sshll.u32 s7, $0x1;
	s4 =	sadd.s32 s5, s19  }
0x9d: {  	s8 =	simm.s32 $0x0;
	s20 =	sshll.u32 s6, $0x1;
	s6 =	sadd.s32 s21, s4  }
0x9e: {  	[timem:s8], [sflag:s22] =	dma.local [hbm:s6], s20  }
0x9f: {  	_ =	swait.ge [sflag:s22], s20  }
0xa0: {  	s5 =	ssub.s32 $0x0, s20;
	[sflag:s22] =	ssyncset.done $0x0  }
0xa1: {  	[sflag:s22] =	ssyncadd.s32 s5;
	_ =	sdelay $0x1  }
0xa2: {  	s23 =	simm.s32 $0x1B8B  }
0xa3: {  	_ =	swait.ge [sflag:s23], $0x1  }
0xa4: {  	[sflag:s23] =	ssyncset.done $0x0  }
0xa5: {  	s25 =	simm.s32 $0x1B8E;
	s24 =	sld [smem:$0x3FFE];
	[sflag:s23] =	ssyncadd.s32 $0xFFFFFFFF  }
0xa6: {  	s26 =	simm.s32 $execute0_lowered;
	[smem:$0x3FD2] =	sst s25  }
0xa7: {  	s6 =	sshll.u32 s26, $0x1;
	_ =	strace $0x80000046;
	[dreg:$0x1] =	wrdreg $0xFFFFFFFF  }
0xa8: {  	s28 =	simm.s32 $_size_execute0_lowered;
	s4 =	sadd.s32 s4, s6;
	[dreg:$0x0] =	wrdreg $0x0  }
0xa9: {  	s6 =	sshll.u32 s28, $0x1;
	[dreg:$0x2] =	wrdreg s4  }
0xaa: {  	[dreg:$0x3] =	wrdreg s6  }
0xab: {  	[dreg:$0x4] =	wrdreg $0xC0  }
0xac: {  	_ =	task [dreg:s8], $0x5FFFF  }
0xad: {  	[dreg:$0x1] =	wrdreg $0xFFFFFFFF  }
0xae: {  	[dreg:$0x0] =	wrdreg $0x60  }
0xaf: {  	[dreg:$0x2] =	wrdreg s2  }
0xb0: {  	[dreg:$0x3] =	wrdreg s18  }
0xb1: {  	[dreg:$0x4] =	wrdreg s24  }
0xb2: {  	[dreg:$0x5] =	wrdreg $0x9  }
0xb3: {  	_ =	task.clear_ibuf [dreg:s8], $0x6FFFF;
	_ =	strace $0x90000046  }
0xb4: {  	s29 =	simm.s32 $0x9;
	_ =	strace $0x80000048  }
0xb5: {  	_ =	swait.ge [sflag:s29], $0x1  }
0xb6: {  	[sflag:s29] =	ssyncadd.s32 $0xFFFFFFFF  }
0xb7: {  	_ =	strace $0x90000048  }
0xb8: {  	_ =	sfence  }
0xb9: {  	s30 =	sld [smem:$0x0];
	_ =	sdelay $0x2  }
0xba: {  	s31 =	sshll.u32 s1, $0xD;
	s1 =	sshrl.u32 s1, $0x2  }
0xbb: {  	s3 =	sand.u32 $0x4000, s31;
	s1 =	sadd.s32 s1, s30  }
0xbc: {  	s0 =	sor.u32 s3, s0;
	s1 =	sshll.u32 s1, $0x11  }
0xbd: {  	s0 =	sor.u32 s1, s0  }
0xbe: {  	s0 =	sadd.s32 $0x8F2B, s0  }
0xbf: {  	[sflag:s0] =	ssyncadd.remote.s32 $0x1  }
0xc0: {  	_ =	sfence.sel $0xFFFF  }
0xc1: {  	[dreg:$0x0] =	wrdreg $0xFFFFFFFF;
	(pc) =	sbr.abs _section_cstart, $3  }
0xc2: {  	[dreg:$0x1] =	wrdreg $0xFFFFFFFF  }
0xc3: {  	_ =	task.clear_ibuf [dreg:s8], $0x2FFFF;
	_ =	strace $0x9FFFFFFF  }
0xc4: {  	(tm) =	ssettm $0x7FFFFFFF  }
0xc5: {  	_ =	shalt  }
tec
execute0_lowered:
.L_overlay_start_1:
0x0: {  	(tag) =	ssettag $0x1  }
0x1: {  	s0 =	rddreg [dreg:$0x0]  }
0x2: {  	s1 =	rddreg [dreg:$0x1]  }
0x3: {  	s5 =	rddreg [dreg:$0x2];
	s2 =	simm.s32 $0x0;
	s3 =	srdreg.scid  }
0x4: {  	s4 =	stileid.u32;
	s10 =	simm.s32 $0x200;
	s11 =	simm.s32 $0x80  }
0x5: {  	s13 =	simm.s32 $0x8400;
	s14 =	simm.s32 $0x2400;
	s15 =	simm.s32 $0x280  }
0x6: {  	s16 =	simm.s32 $0xA400;
	s17 =	simm.s32 $0x100;
	s18 =	simm.s32 $0x4400  }
0x7: {  	s19 =	simm.s32 $0x300;
	s20 =	simm.s32 $0xC400;
	s21 =	simm.s32 $0x180  }
0x8: {  	v0 =	vlaneseq.u32;
	s22 =	simm.s32 $0x6400;
	s23 =	simm.s32 $0x380;
	s24 =	simm.s32 $0xE400  }
0x9: {  	s25 =	simm.s32 $0x1;
	s26 =	simm.s32 $0x10600;
	s28 =	simm.s32 $0x10400;
	v0 =	vmul.u32 $0x18, v0  }
0xa: {  	s29 =	simm.s32 $0x0;
	[smem:$0x7FF] =	sst s2;
	s3 =	sand.u32 $0x1, s3  }
0xb: {  	s4 =	sshll.u32 s4, $0x7;
	_ =	strace $0x80000047;
	s6 =	sshll.u32 s3, $0x6;
	v1 =	vor.u32 $0x1, v0;
	v2 =	vor.u32 $0x2, v0;
	v3 =	vor.u32 $0x3, v0  }
0xc: {  	s7 =	ssub.s32 $0x2, s3;
	s3 =	sadd.s32 $0xF42C00, s5;
	s6 =	sor.u32 s6, s4;
	v4 =	vor.u32 $0x4, v0;
	v5 =	vor.u32 $0x5, v0;
	v6 =	vor.u32 $0x6, v0  }
0xd: {  	s8 =	sshrl.u32 s7, $0x1;
	s4 =	sadd.s32 $0x16E3E00, s5;
	v7 =	vor.u32 $0x7, v0;
	v8 =	vadd.s32 $0x8, v0;
	v9 =	vadd.s32 $0x9, v0;
	s9 =	sadd.s32 s6, s5  }
0xe: {  	v10 =	vadd.s32 $0xA, v0;
	v11 =	vadd.s32 $0xB, v0;
	v12 =	vadd.s32 $0xC, v0;
	s8 =	ssub.s32 s7, s8;
	s5 =	sadd.s32 s0, s6;
	s6 =	sadd.s32 s1, s6  }
0xf: {  	v13 =	vadd.s32 $0xD, v0;
	v14 =	vadd.s32 $0xE, v0;
	v15 =	vadd.s32 $0xF, v0;
	s7 =	sadd.s32 $0x800, s9;
	s8 =	smax.u32 s8, $0x1;
	s9 =	simm.s32 $0x2  }
.LBB2_1:
0x10: {  	[tilespmem:s2], [sflag:$0x2] =	stream.linear.gather [hbm4b:s5+s2], $0x200, $0x38;
	[tilespmem:$0x10780] =	vst v63  }
0x11: {  	_ =	swait.ge [sflag:s9], $0x200  }
0x12: {  	[sflag:s9] =	ssyncset.done $0x0  }
0x13: {  	[sflag:s9] =	ssyncadd.s32 $0xFFFFFE00  }
0x14: {  	[tilespmem:s10], [sflag:$0x2] =	stream.linear.gather [hbm4b:s6+s2], $0x200, $0x38;
	[tilespmem:$0x10780] =	vst v63  }
0x15: {  	_ =	swait.ge [sflag:s9], $0x200  }
0x16: {  	[sflag:s9] =	ssyncset.done $0x0  }
0x17: {  	s0 =	simm.s32 $0x400;
	[sflag:s9] =	ssyncadd.s32 $0xFFFFFE00  }
0x18: {  	[tilespmem:s0], [sflag:$0x1] =	stream.indirect.gather [hbm4b:s3+s11], $0x40, s2, s11, $0xb8;
	[tilespmem:$0x10780] =	vst v63  }
0x19: {  	_ = 	snop  }
0x1a: {  	[tilespmem:s13], [sflag:$0x1] =	stream.indirect.gather [hbm4b:s4+s11], $0x40, s10, s11, $0xb8;
	[tilespmem:$0x10780] =	vst v63  }
0x1b: {  	_ = 	snop  }
0x1c: {  	[tilespmem:s14], [sflag:$0x1] =	stream.indirect.gather [hbm4b:s3+s11], $0x40, s11, s11, $0xb8;
	[tilespmem:$0x10780] =	vst v63  }
0x1d: {  	_ = 	snop  }
0x1e: {  	[tilespmem:s16], [sflag:$0x1] =	stream.indirect.gather [hbm4b:s4+s11], $0x40, s15, s11, $0xb8;
	[tilespmem:$0x10780] =	vst v63  }
0x1f: {  	_ = 	snop  }
0x20: {  	[tilespmem:s18], [sflag:$0x1] =	stream.indirect.gather [hbm4b:s3+s11], $0x40, s17, s11, $0xb8;
	[tilespmem:$0x10780] =	vst v63  }
0x21: {  	_ = 	snop  }
0x22: {  	[tilespmem:s20], [sflag:$0x1] =	stream.indirect.gather [hbm4b:s4+s11], $0x40, s19, s11, $0xb8;
	[tilespmem:$0x10780] =	vst v63  }
0x23: {  	_ = 	snop  }
0x24: {  	[tilespmem:s22], [sflag:$0x1] =	stream.indirect.gather [hbm4b:s3+s11], $0x40, s21, s11, $0xb8;
	[tilespmem:$0x10780] =	vst v63  }
0x25: {  	_ = 	snop  }
0x26: {  	[tilespmem:s24], [sflag:$0x1] =	stream.indirect.gather [hbm4b:s4+s11], $0x40, s23, s11, $0xb8;
	[tilespmem:$0x10780] =	vst v63  }
0x27: {  	_ =	swait.ge [sflag:s25], $0x2000  }
0x28: {  	[sflag:s25] =	ssyncset.done $0x0  }
0x29: {  	[sflag:s25] =	ssyncadd.s32 $0xFFFFE000  }
0x2a: {  	_ =	swait.ge [sflag:s25], $0x2000  }
0x2b: {  	[sflag:s25] =	ssyncset.done $0x0  }
0x2c: {  	[sflag:s25] =	ssyncadd.s32 $0xFFFFE000  }
0x2d: {  	_ =	swait.ge [sflag:s25], $0x2000  }
0x2e: {  	[sflag:s25] =	ssyncset.done $0x0  }
0x2f: {  	[sflag:s25] =	ssyncadd.s32 $0xFFFFE000  }
0x30: {  	_ =	swait.ge [sflag:s25], $0x2000  }
0x31: {  	[sflag:s25] =	ssyncset.done $0x0  }
0x32: {  	[sflag:s25] =	ssyncadd.s32 $0xFFFFE000  }
0x33: {  	_ =	swait.ge [sflag:s25], $0x2000  }
0x34: {  	[sflag:s25] =	ssyncset.done $0x0  }
0x35: {  	[sflag:s25] =	ssyncadd.s32 $0xFFFFE000  }
0x36: {  	_ =	swait.ge [sflag:s25], $0x2000  }
0x37: {  	[sflag:s25] =	ssyncset.done $0x0  }
0x38: {  	[sflag:s25] =	ssyncadd.s32 $0xFFFFE000  }
0x39: {  	_ =	swait.ge [sflag:s25], $0x2000  }
0x3a: {  	[sflag:s25] =	ssyncset.done $0x0  }
0x3b: {  	[sflag:s25] =	ssyncadd.s32 $0xFFFFE000  }
0x3c: {  	_ =	swait.ge [sflag:s25], $0x2000  }
0x3d: {  	[sflag:s25] =	ssyncset.done $0x0  }
0x3e: {  	s30 =	simm.s32 $0x0;
	[sflag:s25] =	ssyncadd.s32 $0xFFFFE000  }
0x3f: {  	v16 =	vld [tilespmem:s30+$0x8410]  }
0x40: {  	v17 =	vld [tilespmem:s30+$0x400]  }
0x41: {  	v18 =	vld [tilespmem:s30+$0x410]  }
0x42: {  	v19 =	vld [tilespmem:s30+$0x8400]  }
0x43: {  	v20 =	vld [tilespmem:s30+$0x8420]  }
0x44: {  	v21 =	vld [tilespmem:s30+$0x420]  }
0x45: {  	v22 =	vld [tilespmem:s30+$0x8430]  }
0x46: {  	v23 =	vld [tilespmem:s30+$0x430]  }
0x47: {  	v16 =	vmul.f32 v16, v18;
	v17 =	vmul.f32 v19, v17;
	_ =	sdelay $0x1  }
0x48: {  	v16 =	vadd.f32 v16, v17;
	v17 =	vmul.f32 v20, v21;
	_ =	sdelay $0x1  }
0x49: {  	v16 =	vadd.f32 v17, v16;
	v17 =	vmul.f32 v22, v23;
	_ =	sdelay $0x1  }
0x4a: {  	v16 =	vadd.f32 v17, v16;
	_ =	sdelay $0x1  }
0x4b: {  	[tilespmem:$0x10600] =	vst v16  }
0x4c: {  	v16 =	vld [tilespmem:s30+$0x440]  }
0x4d: {  	v17 =	vld [tilespmem:s30+$0x8440]  }
0x4e: {  	v18 =	vld [tilespmem:s30+$0x450]  }
0x4f: {  	v19 =	vld [tilespmem:s30+$0x8450]  }
0x50: {  	v20 =	vld [tilespmem:s30+$0x8460]  }
0x51: {  	v21 =	vld [tilespmem:s30+$0x460]  }
0x52: {  	v22 =	vld [tilespmem:s30+$0x8470]  }
0x53: {  	v23 =	vld [tilespmem:s30+$0x470]  }
0x54: {  	v16 =	vmul.f32 v17, v16;
	v17 =	vmul.f32 v19, v18;
	_ =	sdelay $0x1  }
0x55: {  	v16 =	vadd.f32 v17, v16;
	v17 =	vmul.f32 v20, v21;
	_ =	sdelay $0x1  }
0x56: {  	v16 =	vadd.f32 v17, v16;
	v17 =	vmul.f32 v22, v23;
	_ =	sdelay $0x1  }
0x57: {  	v16 =	vadd.f32 v17, v16;
	_ =	sdelay $0x1  }
0x58: {  	[tilespmem:$0x10618] =	vst v16  }
0x59: {  	v16 =	vld [tilespmem:s30+$0x8490]  }
0x5a: {  	v17 =	vld [tilespmem:s30+$0x480]  }
0x5b: {  	v18 =	vld [tilespmem:s30+$0x8480]  }
0x5c: {  	v19 =	vld [tilespmem:s30+$0x490]  }
0x5d: {  	v20 =	vld [tilespmem:s30+$0x84A0]  }
0x5e: {  	v21 =	vld [tilespmem:s30+$0x4A0]  }
0x5f: {  	v22 =	vld [tilespmem:s30+$0x84B0]  }
0x60: {  	v23 =	vld [tilespmem:s30+$0x4B0]  }
0x61: {  	v17 =	vmul.f32 v18, v17;
	v16 =	vmul.f32 v16, v19;
	_ =	sdelay $0x1  }
0x62: {  	v16 =	vadd.f32 v16, v17;
	v17 =	vmul.f32 v20, v21;
	_ =	sdelay $0x1  }
0x63: {  	v16 =	vadd.f32 v17, v16;
	v17 =	vmul.f32 v22, v23;
	_ =	sdelay $0x1  }
0x64: {  	v16 =	vadd.f32 v17, v16;
	_ =	sdelay $0x1  }
0x65: {  	[tilespmem:$0x10630] =	vst v16  }
0x66: {  	v16 =	vld [tilespmem:s30+$0x84D0]  }
0x67: {  	v17 =	vld [tilespmem:s30+$0x4C0]  }
0x68: {  	v18 =	vld [tilespmem:s30+$0x84C0]  }
0x69: {  	v19 =	vld [tilespmem:s30+$0x4D0]  }
0x6a: {  	v20 =	vld [tilespmem:s30+$0x4E0]  }
0x6b: {  	v21 =	vld [tilespmem:s30+$0x84E0]  }
0x6c: {  	v22 =	vld [tilespmem:s30+$0x84F0]  }
0x6d: {  	v23 =	vld [tilespmem:s30+$0x4F0]  }
0x6e: {  	v17 =	vmul.f32 v18, v17;
	v16 =	vmul.f32 v16, v19;
	_ =	sdelay $0x1  }
0x6f: {  	v16 =	vadd.f32 v16, v17;
	v17 =	vmul.f32 v21, v20;
	_ =	sdelay $0x1  }
0x70: {  	v16 =	vadd.f32 v17, v16;
	v17 =	vmul.f32 v22, v23;
	_ =	sdelay $0x1  }
0x71: {  	v16 =	vadd.f32 v17, v16;
	_ =	sdelay $0x1  }
0x72: {  	[tilespmem:$0x10648] =	vst v16  }
0x73: {  	v16 =	vld [tilespmem:s30+$0x8500]  }
0x74: {  	v17 =	vld [tilespmem:s30+$0x8510]  }
0x75: {  	v18 =	vld [tilespmem:s30+$0x500]  }
0x76: {  	v19 =	vld [tilespmem:s30+$0x510]  }
0x77: {  	v20 =	vld [tilespmem:s30+$0x520]  }
0x78: {  	v21 =	vld [tilespmem:s30+$0x8520]  }
0x79: {  	v22 =	vld [tilespmem:s30+$0x8530]  }
0x7a: {  	v23 =	vld [tilespmem:s30+$0x530]  }
0x7b: {  	v16 =	vmul.f32 v16, v18;
	v17 =	vmul.f32 v17, v19;
	_ =	sdelay $0x1  }
0x7c: {  	v16 =	vadd.f32 v17, v16;
	v17 =	vmul.f32 v21, v20;
	_ =	sdelay $0x1  }
0x7d: {  	v16 =	vadd.f32 v17, v16;
	v17 =	vmul.f32 v22, v23;
	_ =	sdelay $0x1  }
0x7e: {  	v16 =	vadd.f32 v17, v16;
	_ =	sdelay $0x1  }
0x7f: {  	[tilespmem:$0x10660] =	vst v16  }
0x80: {  	v16 =	vld [tilespmem:s30+$0x8540]  }
0x81: {  	v17 =	vld [tilespmem:s30+$0x8550]  }
0x82: {  	v18 =	vld [tilespmem:s30+$0x540]  }
0x83: {  	v19 =	vld [tilespmem:s30+$0x550]  }
0x84: {  	v20 =	vld [tilespmem:s30+$0x560]  }
0x85: {  	v21 =	vld [tilespmem:s30+$0x8560]  }
0x86: {  	v22 =	vld [tilespmem:s30+$0x8570]  }
0x87: {  	v23 =	vld [tilespmem:s30+$0x570]  }
0x88: {  	v16 =	vmul.f32 v16, v18;
	v17 =	vmul.f32 v17, v19;
	_ =	sdelay $0x1  }
0x89: {  	v16 =	vadd.f32 v17, v16;
	v17 =	vmul.f32 v21, v20;
	_ =	sdelay $0x1  }
0x8a: {  	v16 =	vadd.f32 v17, v16;
	v17 =	vmul.f32 v22, v23;
	_ =	sdelay $0x1  }
0x8b: {  	v16 =	vadd.f32 v17, v16;
	_ =	sdelay $0x1  }
0x8c: {  	[tilespmem:$0x10678] =	vst v16  }
0x8d: {  	v16 =	vld [tilespmem:s30+$0x8580]  }
0x8e: {  	v17 =	vld [tilespmem:s30+$0x8590]  }
0x8f: {  	v18 =	vld [tilespmem:s30+$0x590]  }
0x90: {  	v19 =	vld [tilespmem:s30+$0x580]  }
0x91: {  	v20 =	vld [tilespmem:s30+$0x85A0]  }
0x92: {  	v21 =	vld [tilespmem:s30+$0x5A0]  }
0x93: {  	v22 =	vld [tilespmem:s30+$0x85B0]  }
0x94: {  	v23 =	vld [tilespmem:s30+$0x5B0]  }
0x95: {  	v17 =	vmul.f32 v17, v18;
	v16 =	vmul.f32 v16, v19;
	_ =	sdelay $0x1  }
0x96: {  	v16 =	vadd.f32 v17, v16;
	v17 =	vmul.f32 v20, v21;
	_ =	sdelay $0x1  }
0x97: {  	v16 =	vadd.f32 v17, v16;
	v17 =	vmul.f32 v22, v23;
	_ =	sdelay $0x1  }
0x98: {  	v16 =	vadd.f32 v17, v16;
	_ =	sdelay $0x1  }
0x99: {  	[tilespmem:$0x10690] =	vst v16  }
0x9a: {  	v16 =	vld [tilespmem:s30+$0x5C0]  }
0x9b: {  	v17 =	vld [tilespmem:s30+$0x85C0]  }
0x9c: {  	v18 =	vld [tilespmem:s30+$0x85D0]  }
0x9d: {  	v19 =	vld [tilespmem:s30+$0x5D0]  }
0x9e: {  	v20 =	vld [tilespmem:s30+$0x85E0]  }
0x9f: {  	v21 =	vld [tilespmem:s30+$0x5E0]  }
0xa0: {  	v22 =	vld [tilespmem:s30+$0x85F0]  }
0xa1: {  	v23 =	vld [tilespmem:s30+$0x5F0]  }
0xa2: {  	v16 =	vmul.f32 v17, v16;
	v17 =	vmul.f32 v18, v19;
	_ =	sdelay $0x1  }
0xa3: {  	v16 =	vadd.f32 v17, v16;
	v17 =	vmul.f32 v20, v21;
	_ =	sdelay $0x1  }
0xa4: {  	v16 =	vadd.f32 v17, v16;
	v17 =	vmul.f32 v22, v23;
	_ =	sdelay $0x1  }
0xa5: {  	v16 =	vadd.f32 v17, v16;
	_ =	sdelay $0x1  }
0xa6: {  	[tilespmem:$0x106A8] =	vst v16  }
0xa7: {  	v16 =	vld [tilespmem:s30+$0x8600]  }
0xa8: {  	v17 =	vld [tilespmem:s30+$0x8610]  }
0xa9: {  	v18 =	vld [tilespmem:s30+$0x600]  }
0xaa: {  	v19 =	vld [tilespmem:s30+$0x610]  }
0xab: {  	v20 =	vld [tilespmem:s30+$0x8620]  }
0xac: {  	v21 =	vld [tilespmem:s30+$0x620]  }
0xad: {  	v22 =	vld [tilespmem:s30+$0x8630]  }
0xae: {  	v23 =	vld [tilespmem:s30+$0x630]  }
0xaf: {  	v16 =	vmul.f32 v16, v18;
	v17 =	vmul.f32 v17, v19;
	_ =	sdelay $0x1  }
0xb0: {  	v16 =	vadd.f32 v17, v16;
	v17 =	vmul.f32 v20, v21;
	_ =	sdelay $0x1  }
0xb1: {  	v16 =	vadd.f32 v17, v16;
	v17 =	vmul.f32 v22, v23;
	_ =	sdelay $0x1  }
0xb2: {  	v16 =	vadd.f32 v17, v16;
	_ =	sdelay $0x1  }
0xb3: {  	[tilespmem:$0x106C0] =	vst v16  }
0xb4: {  	v16 =	vld [tilespmem:s30+$0x8640]  }
0xb5: {  	v17 =	vld [tilespmem:s30+$0x8650]  }
0xb6: {  	v18 =	vld [tilespmem:s30+$0x650]  }
0xb7: {  	v19 =	vld [tilespmem:s30+$0x640]  }
0xb8: {  	v20 =	vld [tilespmem:s30+$0x660]  }
0xb9: {  	v21 =	vld [tilespmem:s30+$0x8660]  }
0xba: {  	v22 =	vld [tilespmem:s30+$0x670]  }
0xbb: {  	v23 =	vld [tilespmem:s30+$0x8670]  }
0xbc: {  	v17 =	vmul.f32 v17, v18;
	v16 =	vmul.f32 v16, v19;
	_ =	sdelay $0x1  }
0xbd: {  	v16 =	vadd.f32 v17, v16;
	v17 =	vmul.f32 v21, v20;
	_ =	sdelay $0x1  }
0xbe: {  	v16 =	vadd.f32 v17, v16;
	v17 =	vmul.f32 v23, v22;
	_ =	sdelay $0x1  }
0xbf: {  	v16 =	vadd.f32 v17, v16;
	_ =	sdelay $0x1  }
0xc0: {  	[tilespmem:$0x106D8] =	vst v16  }
0xc1: {  	v16 =	vld [tilespmem:s30+$0x8690]  }
0xc2: {  	v17 =	vld [tilespmem:s30+$0x8680]  }
0xc3: {  	v18 =	vld [tilespmem:s30+$0x680]  }
0xc4: {  	v19 =	vld [tilespmem:s30+$0x690]  }
0xc5: {  	v20 =	vld [tilespmem:s30+$0x6A0]  }
0xc6: {  	v21 =	vld [tilespmem:s30+$0x86A0]  }
0xc7: {  	v22 =	vld [tilespmem:s30+$0x6B0]  }
0xc8: {  	v23 =	vld [tilespmem:s30+$0x86B0]  }
0xc9: {  	v17 =	vmul.f32 v17, v18;
	v16 =	vmul.f32 v16, v19;
	_ =	sdelay $0x1  }
0xca: {  	v16 =	vadd.f32 v16, v17;
	v17 =	vmul.f32 v21, v20;
	_ =	sdelay $0x1  }
0xcb: {  	v16 =	vadd.f32 v17, v16;
	v17 =	vmul.f32 v23, v22;
	_ =	sdelay $0x1  }
0xcc: {  	v16 =	vadd.f32 v17, v16;
	_ =	sdelay $0x1  }
0xcd: {  	[tilespmem:$0x106F0] =	vst v16  }
0xce: {  	v16 =	vld [tilespmem:s30+$0x86C0]  }
0xcf: {  	v17 =	vld [tilespmem:s30+$0x86D0]  }
0xd0: {  	v18 =	vld [tilespmem:s30+$0x6C0]  }
0xd1: {  	v19 =	vld [tilespmem:s30+$0x6D0]  }
0xd2: {  	v20 =	vld [tilespmem:s30+$0x6E0]  }
0xd3: {  	v21 =	vld [tilespmem:s30+$0x86E0]  }
0xd4: {  	v22 =	vld [tilespmem:s30+$0x6F0]  }
0xd5: {  	v23 =	vld [tilespmem:s30+$0x86F0]  }
0xd6: {  	v16 =	vmul.f32 v16, v18;
	v17 =	vmul.f32 v17, v19;
	_ =	sdelay $0x1  }
0xd7: {  	v16 =	vadd.f32 v17, v16;
	v17 =	vmul.f32 v21, v20;
	_ =	sdelay $0x1  }
0xd8: {  	v16 =	vadd.f32 v17, v16;
	v17 =	vmul.f32 v23, v22;
	_ =	sdelay $0x1  }
0xd9: {  	v16 =	vadd.f32 v17, v16;
	_ =	sdelay $0x1  }
0xda: {  	[tilespmem:$0x10708] =	vst v16  }
0xdb: {  	v16 =	vld [tilespmem:s30+$0x8700]  }
0xdc: {  	v17 =	vld [tilespmem:s30+$0x8710]  }
0xdd: {  	v18 =	vld [tilespmem:s30+$0x700]  }
0xde: {  	v19 =	vld [tilespmem:s30+$0x710]  }
0xdf: {  	v20 =	vld [tilespmem:s30+$0x720]  }
0xe0: {  	v21 =	vld [tilespmem:s30+$0x8720]  }
0xe1: {  	v22 =	vld [tilespmem:s30+$0x730]  }
0xe2: {  	v23 =	vld [tilespmem:s30+$0x8730]  }
0xe3: {  	v16 =	vmul.f32 v16, v18;
	v17 =	vmul.f32 v17, v19;
	_ =	sdelay $0x1  }
0xe4: {  	v16 =	vadd.f32 v17, v16;
	v17 =	vmul.f32 v21, v20;
	_ =	sdelay $0x1  }
0xe5: {  	v16 =	vadd.f32 v17, v16;
	v17 =	vmul.f32 v23, v22;
	_ =	sdelay $0x1  }
0xe6: {  	v16 =	vadd.f32 v17, v16;
	_ =	sdelay $0x1  }
0xe7: {  	[tilespmem:$0x10720] =	vst v16  }
0xe8: {  	v16 =	vld [tilespmem:s30+$0x8740]  }
0xe9: {  	v17 =	vld [tilespmem:s30+$0x8750]  }
0xea: {  	v18 =	vld [tilespmem:s30+$0x740]  }
0xeb: {  	v19 =	vld [tilespmem:s30+$0x750]  }
0xec: {  	v20 =	vld [tilespmem:s30+$0x760]  }
0xed: {  	v21 =	vld [tilespmem:s30+$0x8760]  }
0xee: {  	v22 =	vld [tilespmem:s30+$0x770]  }
0xef: {  	v23 =	vld [tilespmem:s30+$0x8770]  }
0xf0: {  	v16 =	vmul.f32 v16, v18;
	v17 =	vmul.f32 v17, v19;
	_ =	sdelay $0x1  }
0xf1: {  	v16 =	vadd.f32 v17, v16;
	v17 =	vmul.f32 v21, v20;
	_ =	sdelay $0x1  }
0xf2: {  	v16 =	vadd.f32 v17, v16;
	v17 =	vmul.f32 v23, v22;
	_ =	sdelay $0x1  }
0xf3: {  	v16 =	vadd.f32 v17, v16;
	_ =	sdelay $0x1  }
0xf4: {  	[tilespmem:$0x10738] =	vst v16  }
0xf5: {  	v16 =	vld [tilespmem:s30+$0x8780]  }
0xf6: {  	v17 =	vld [tilespmem:s30+$0x8790]  }
0xf7: {  	v18 =	vld [tilespmem:s30+$0x780]  }
0xf8: {  	v19 =	vld [tilespmem:s30+$0x790]  }
0xf9: {  	v20 =	vld [tilespmem:s30+$0x7A0]  }
0xfa: {  	v21 =	vld [tilespmem:s30+$0x87A0]  }
0xfb: {  	v22 =	vld [tilespmem:s30+$0x7B0]  }
0xfc: {  	v23 =	vld [tilespmem:s30+$0x87B0]  }
0xfd: {  	v16 =	vmul.f32 v16, v18;
	v17 =	vmul.f32 v17, v19;
	_ =	sdelay $0x1  }
0xfe: {  	v16 =	vadd.f32 v17, v16;
	v17 =	vmul.f32 v21, v20;
	_ =	sdelay $0x1  }
0xff: {  	v16 =	vadd.f32 v17, v16;
	v17 =	vmul.f32 v23, v22;
	_ =	sdelay $0x1  }
0x100: {  	v16 =	vadd.f32 v17, v16;
	_ =	sdelay $0x1  }
0x101: {  	[tilespmem:$0x10750] =	vst v16  }
0x102: {  	v16 =	vld [tilespmem:s30+$0x87C0]  }
0x103: {  	v19 =	vld [tilespmem:s30+$0x7C0]  }
0x104: {  	v17 =	vld [tilespmem:s30+$0x87D0]  }
0x105: {  	v20 =	vld [tilespmem:s30+$0x7D0]  }
0x106: {  	s1 =	simm.s32 $0x10400;
	s31 =	simm.s32 $0x10400;
	s0 =	simm.s32 $0x1000;
	v18 =	vld [tilespmem:s30+$0x7E0]  }
.LBB2_2:
0x107: {  	p0 =	sne.s32 s0, $0x1F000  }
0x108: {  	v21 =	vld [tilespmem:s30+$0x87E0];
	s1 =	sadd.s32 $0x10, s1;
	s12 =	smov.u32 s0;
	s0 =	sadd.s32 $0x1000, s0  }
0x109: {  	v16 =	vmul.f32 v16, v19;
	v19 =	vld [tilespmem:s30+$0x7F0]  }
0x10a: {  	v22 =	vld [tilespmem:s30+$0x87F0]  }
0x10b: {  	v17 =	vmul.f32 v17, v20;
	_ =	sdelay $0x1  }
0x10c: {  	v16 =	vadd.f32 v17, v16;
	v17 =	vmul.f32 v21, v18;
	_ =	sdelay $0x1  }
0x10d: {  	v16 =	vadd.f32 v17, v16;
	v17 =	vmul.f32 v22, v19;
	_ =	sdelay $0x1  }
0x10e: {  	v16 =	vadd.f32 v17, v16;
	_ =	sdelay $0x1  }
0x10f: {  	[tilespmem:$0x10768] =	vst v16  }
0x110: {  	v16 =	vld.idx.msk [tilespmem:v0+s26+$0x0], $0xffff  }
0x111: {  	v17 =	vld.idx.msk [tilespmem:v1+s26+$0x0], $0xffff  }
0x112: {  	v18 =	vld.idx.msk [tilespmem:v2+s26+$0x0], $0xffff  }
0x113: {  	v19 =	vld.idx.msk [tilespmem:v3+s26+$0x0], $0xffff  }
0x114: {  	v20 =	vld.idx.msk [tilespmem:v4+s26+$0x0], $0xffff  }
0x115: {  	v21 =	vld.idx.msk [tilespmem:v5+s26+$0x0], $0xffff  }
0x116: {  	v22 =	vld.idx.msk [tilespmem:v6+s26+$0x0], $0xffff  }
0x117: {  	v16 =	vadd.f32 v17, v16;
	v17 =	vld.idx.msk [tilespmem:v7+s26+$0x0], $0xffff  }
0x118: {  	v23 =	vld.idx.msk [tilespmem:v8+s26+$0x0], $0xffff  }
0x119: {  	v16 =	vadd.f32 v18, v16;
	v18 =	vld.idx.msk [tilespmem:v9+s26+$0x0], $0xffff  }
0x11a: {  	v24 =	vld.idx.msk [tilespmem:v10+s26+$0x0], $0xffff  }
0x11b: {  	v16 =	vadd.f32 v19, v16;
	v19 =	vld.idx.msk [tilespmem:v11+s26+$0x0], $0xffff  }
0x11c: {  	v25 =	vld.idx.msk [tilespmem:v12+s26+$0x0], $0xffff  }
0x11d: {  	v16 =	vadd.f32 v20, v16;
	v20 =	vld.idx.msk [tilespmem:v13+s26+$0x0], $0xffff  }
0x11e: {  	v26 =	vld.idx.msk [tilespmem:v14+s26+$0x0], $0xffff  }
0x11f: {  	v16 =	vadd.f32 v21, v16;
	v21 =	vld.idx.msk [tilespmem:v15+s26+$0x0], $0xffff;
	_ =	sdelay $0x1  }
0x120: {  	v16 =	vadd.f32 v22, v16;
	_ =	sdelay $0x1  }
0x121: {  	v16 =	vadd.f32 v17, v16;
	_ =	sdelay $0x1  }
0x122: {  	v16 =	vadd.f32 v23, v16;
	_ =	sdelay $0x1  }
0x123: {  	v16 =	vadd.f32 v18, v16;
	_ =	sdelay $0x1  }
0x124: {  	v16 =	vadd.f32 v24, v16;
	_ =	sdelay $0x1  }
0x125: {  	v16 =	vadd.f32 v19, v16;
	_ =	sdelay $0x1  }
0x126: {  	v16 =	vadd.f32 v25, v16;
	_ =	sdelay $0x1  }
0x127: {  	v16 =	vadd.f32 v20, v16;
	_ =	sdelay $0x1  }
0x128: {  	v16 =	vadd.f32 v26, v16;
	_ =	sdelay $0x1  }
0x129: {  	v16 =	vadd.f32 v21, v16;
	_ =	sdelay $0x1  }
0x12a: {  	s30 =	sshra.s32 s12, $0x2;
	[tilespmem:s31+$0x0] =	vst v16;
	s31 =	smov.u32 s1  }
0x12b: {  	v16 =	vld [tilespmem:s30+$0x8410]  }
0x12c: {  	v17 =	vld [tilespmem:s30+$0x400]  }
0x12d: {  	v18 =	vld [tilespmem:s30+$0x410]  }
0x12e: {  	v19 =	vld [tilespmem:s30+$0x8400]  }
0x12f: {  	v20 =	vld [tilespmem:s30+$0x8420]  }
0x130: {  	v21 =	vld [tilespmem:s30+$0x420]  }
0x131: {  	v22 =	vld [tilespmem:s30+$0x8430]  }
0x132: {  	v16 =	vmul.f32 v16, v18;
	v18 =	vld [tilespmem:s30+$0x430]  }
0x133: {  	v17 =	vmul.f32 v19, v17;
	_ =	sdelay $0x1  }
0x134: {  	v16 =	vadd.f32 v16, v17;
	v17 =	vmul.f32 v20, v21;
	_ =	sdelay $0x1  }
0x135: {  	v16 =	vadd.f32 v17, v16;
	v17 =	vmul.f32 v22, v18;
	_ =	sdelay $0x1  }
0x136: {  	v16 =	vadd.f32 v17, v16;
	_ =	sdelay $0x1  }
0x137: {  	[tilespmem:$0x10600] =	vst v16  }
0x138: {  	v16 =	vld [tilespmem:s30+$0x440]  }
0x139: {  	v17 =	vld [tilespmem:s30+$0x8440]  }
0x13a: {  	v18 =	vld [tilespmem:s30+$0x450]  }
0x13b: {  	v19 =	vld [tilespmem:s30+$0x8450]  }
0x13c: {  	v20 =	vld [tilespmem:s30+$0x8460]  }
0x13d: {  	v21 =	vld [tilespmem:s30+$0x460]  }
0x13e: {  	v16 =	vmul.f32 v17, v16;
	v17 =	vld [tilespmem:s30+$0x8470]  }
0x13f: {  	v22 =	vld [tilespmem:s30+$0x470]  }
0x140: {  	v18 =	vmul.f32 v19, v18;
	_ =	sdelay $0x1  }
0x141: {  	v16 =	vadd.f32 v18, v16;
	v18 =	vmul.f32 v20, v21;
	_ =	sdelay $0x1  }
0x142: {  	v16 =	vadd.f32 v18, v16;
	v17 =	vmul.f32 v17, v22;
	_ =	sdelay $0x1  }
0x143: {  	v16 =	vadd.f32 v17, v16;
	_ =	sdelay $0x1  }
0x144: {  	[tilespmem:$0x10618] =	vst v16  }
0x145: {  	v16 =	vld [tilespmem:s30+$0x8490]  }
0x146: {  	v17 =	vld [tilespmem:s30+$0x480]  }
0x147: {  	v18 =	vld [tilespmem:s30+$0x8480]  }
0x148: {  	v19 =	vld [tilespmem:s30+$0x490]  }
0x149: {  	v20 =	vld [tilespmem:s30+$0x84A0]  }
0x14a: {  	v21 =	vld [tilespmem:s30+$0x4A0]  }
0x14b: {  	v22 =	vld [tilespmem:s30+$0x84B0]  }
0x14c: {  	v17 =	vmul.f32 v18, v17;
	v18 =	vld [tilespmem:s30+$0x4B0]  }
0x14d: {  	v16 =	vmul.f32 v16, v19;
	_ =	sdelay $0x1  }
0x14e: {  	v16 =	vadd.f32 v16, v17;
	v17 =	vmul.f32 v20, v21;
	_ =	sdelay $0x1  }
0x14f: {  	v16 =	vadd.f32 v17, v16;
	v17 =	vmul.f32 v22, v18;
	_ =	sdelay $0x1  }
0x150: {  	v16 =	vadd.f32 v17, v16;
	_ =	sdelay $0x1  }
0x151: {  	[tilespmem:$0x10630] =	vst v16  }
0x152: {  	v16 =	vld [tilespmem:s30+$0x84D0]  }
0x153: {  	v17 =	vld [tilespmem:s30+$0x4C0]  }
0x154: {  	v18 =	vld [tilespmem:s30+$0x84C0]  }
0x155: {  	v19 =	vld [tilespmem:s30+$0x4D0]  }
0x156: {  	v20 =	vld [tilespmem:s30+$0x4E0]  }
0x157: {  	v21 =	vld [tilespmem:s30+$0x84E0]  }
0x158: {  	v22 =	vld [tilespmem:s30+$0x84F0]  }
0x159: {  	v17 =	vmul.f32 v18, v17;
	v18 =	vld [tilespmem:s30+$0x4F0]  }
0x15a: {  	v16 =	vmul.f32 v16, v19;
	_ =	sdelay $0x1  }
0x15b: {  	v16 =	vadd.f32 v16, v17;
	v17 =	vmul.f32 v21, v20;
	_ =	sdelay $0x1  }
0x15c: {  	v16 =	vadd.f32 v17, v16;
	v17 =	vmul.f32 v22, v18;
	_ =	sdelay $0x1  }
0x15d: {  	v16 =	vadd.f32 v17, v16;
	_ =	sdelay $0x1  }
0x15e: {  	[tilespmem:$0x10648] =	vst v16  }
0x15f: {  	v16 =	vld [tilespmem:s30+$0x8500]  }
0x160: {  	v17 =	vld [tilespmem:s30+$0x8510]  }
0x161: {  	v18 =	vld [tilespmem:s30+$0x500]  }
0x162: {  	v19 =	vld [tilespmem:s30+$0x510]  }
0x163: {  	v20 =	vld [tilespmem:s30+$0x520]  }
0x164: {  	v21 =	vld [tilespmem:s30+$0x8520]  }
0x165: {  	v22 =	vld [tilespmem:s30+$0x8530]  }
0x166: {  	v16 =	vmul.f32 v16, v18;
	v18 =	vld [tilespmem:s30+$0x530]  }
0x167: {  	v17 =	vmul.f32 v17, v19;
	_ =	sdelay $0x1  }
0x168: {  	v16 =	vadd.f32 v17, v16;
	v17 =	vmul.f32 v21, v20;
	_ =	sdelay $0x1  }
0x169: {  	v16 =	vadd.f32 v17, v16;
	v17 =	vmul.f32 v22, v18;
	_ =	sdelay $0x1  }
0x16a: {  	v16 =	vadd.f32 v17, v16;
	_ =	sdelay $0x1  }
0x16b: {  	[tilespmem:$0x10660] =	vst v16  }
0x16c: {  	v16 =	vld [tilespmem:s30+$0x8540]  }
0x16d: {  	v17 =	vld [tilespmem:s30+$0x8550]  }
0x16e: {  	v18 =	vld [tilespmem:s30+$0x540]  }
0x16f: {  	v19 =	vld [tilespmem:s30+$0x550]  }
0x170: {  	v20 =	vld [tilespmem:s30+$0x560]  }
0x171: {  	v21 =	vld [tilespmem:s30+$0x8560]  }
0x172: {  	v22 =	vld [tilespmem:s30+$0x8570]  }
0x173: {  	v16 =	vmul.f32 v16, v18;
	v18 =	vld [tilespmem:s30+$0x570]  }
0x174: {  	v17 =	vmul.f32 v17, v19;
	_ =	sdelay $0x1  }
0x175: {  	v16 =	vadd.f32 v17, v16;
	v17 =	vmul.f32 v21, v20;
	_ =	sdelay $0x1  }
0x176: {  	v16 =	vadd.f32 v17, v16;
	v17 =	vmul.f32 v22, v18;
	_ =	sdelay $0x1  }
0x177: {  	v16 =	vadd.f32 v17, v16;
	_ =	sdelay $0x1  }
0x178: {  	[tilespmem:$0x10678] =	vst v16  }
0x179: {  	v16 =	vld [tilespmem:s30+$0x8580]  }
0x17a: {  	v17 =	vld [tilespmem:s30+$0x8590]  }
0x17b: {  	v18 =	vld [tilespmem:s30+$0x590]  }
0x17c: {  	v19 =	vld [tilespmem:s30+$0x580]  }
0x17d: {  	v20 =	vld [tilespmem:s30+$0x85A0]  }
0x17e: {  	v21 =	vld [tilespmem:s30+$0x5A0]  }
0x17f: {  	v22 =	vld [tilespmem:s30+$0x85B0]  }
0x180: {  	v17 =	vmul.f32 v17, v18;
	v18 =	vld [tilespmem:s30+$0x5B0]  }
0x181: {  	v16 =	vmul.f32 v16, v19;
	_ =	sdelay $0x1  }
0x182: {  	v16 =	vadd.f32 v17, v16;
	v17 =	vmul.f32 v20, v21;
	_ =	sdelay $0x1  }
0x183: {  	v16 =	vadd.f32 v17, v16;
	v17 =	vmul.f32 v22, v18;
	_ =	sdelay $0x1  }
0x184: {  	v16 =	vadd.f32 v17, v16;
	_ =	sdelay $0x1  }
0x185: {  	[tilespmem:$0x10690] =	vst v16  }
0x186: {  	v16 =	vld [tilespmem:s30+$0x5C0]  }
0x187: {  	v17 =	vld [tilespmem:s30+$0x85C0]  }
0x188: {  	v18 =	vld [tilespmem:s30+$0x85D0]  }
0x189: {  	v19 =	vld [tilespmem:s30+$0x5D0]  }
0x18a: {  	v20 =	vld [tilespmem:s30+$0x85E0]  }
0x18b: {  	v21 =	vld [tilespmem:s30+$0x5E0]  }
0x18c: {  	v16 =	vmul.f32 v17, v16;
	v17 =	vld [tilespmem:s30+$0x85F0]  }
0x18d: {  	v22 =	vld [tilespmem:s30+$0x5F0]  }
0x18e: {  	v18 =	vmul.f32 v18, v19;
	_ =	sdelay $0x1  }
0x18f: {  	v16 =	vadd.f32 v18, v16;
	v18 =	vmul.f32 v20, v21;
	_ =	sdelay $0x1  }
0x190: {  	v16 =	vadd.f32 v18, v16;
	v17 =	vmul.f32 v17, v22;
	_ =	sdelay $0x1  }
0x191: {  	v16 =	vadd.f32 v17, v16;
	_ =	sdelay $0x1  }
0x192: {  	[tilespmem:$0x106A8] =	vst v16  }
0x193: {  	v16 =	vld [tilespmem:s30+$0x8600]  }
0x194: {  	v17 =	vld [tilespmem:s30+$0x8610]  }
0x195: {  	v18 =	vld [tilespmem:s30+$0x600]  }
0x196: {  	v19 =	vld [tilespmem:s30+$0x610]  }
0x197: {  	v20 =	vld [tilespmem:s30+$0x8620]  }
0x198: {  	v21 =	vld [tilespmem:s30+$0x620]  }
0x199: {  	v22 =	vld [tilespmem:s30+$0x8630]  }
0x19a: {  	v16 =	vmul.f32 v16, v18;
	v18 =	vld [tilespmem:s30+$0x630]  }
0x19b: {  	v17 =	vmul.f32 v17, v19;
	_ =	sdelay $0x1  }
0x19c: {  	v16 =	vadd.f32 v17, v16;
	v17 =	vmul.f32 v20, v21;
	_ =	sdelay $0x1  }
0x19d: {  	v16 =	vadd.f32 v17, v16;
	v17 =	vmul.f32 v22, v18;
	_ =	sdelay $0x1  }
0x19e: {  	v16 =	vadd.f32 v17, v16;
	_ =	sdelay $0x1  }
0x19f: {  	[tilespmem:$0x106C0] =	vst v16  }
0x1a0: {  	v16 =	vld [tilespmem:s30+$0x8640]  }
0x1a1: {  	v17 =	vld [tilespmem:s30+$0x8650]  }
0x1a2: {  	v18 =	vld [tilespmem:s30+$0x650]  }
0x1a3: {  	v19 =	vld [tilespmem:s30+$0x640]  }
0x1a4: {  	v20 =	vld [tilespmem:s30+$0x660]  }
0x1a5: {  	v21 =	vld [tilespmem:s30+$0x8660]  }
0x1a6: {  	v22 =	vld [tilespmem:s30+$0x670]  }
0x1a7: {  	v17 =	vmul.f32 v17, v18;
	v18 =	vld [tilespmem:s30+$0x8670]  }
0x1a8: {  	v16 =	vmul.f32 v16, v19;
	_ =	sdelay $0x1  }
0x1a9: {  	v16 =	vadd.f32 v17, v16;
	v17 =	vmul.f32 v21, v20;
	_ =	sdelay $0x1  }
0x1aa: {  	v16 =	vadd.f32 v17, v16;
	v17 =	vmul.f32 v18, v22;
	_ =	sdelay $0x1  }
0x1ab: {  	v16 =	vadd.f32 v17, v16;
	_ =	sdelay $0x1  }
0x1ac: {  	[tilespmem:$0x106D8] =	vst v16  }
0x1ad: {  	v16 =	vld [tilespmem:s30+$0x8690]  }
0x1ae: {  	v17 =	vld [tilespmem:s30+$0x8680]  }
0x1af: {  	v18 =	vld [tilespmem:s30+$0x680]  }
0x1b0: {  	v19 =	vld [tilespmem:s30+$0x690]  }
0x1b1: {  	v20 =	vld [tilespmem:s30+$0x6A0]  }
0x1b2: {  	v21 =	vld [tilespmem:s30+$0x86A0]  }
0x1b3: {  	v22 =	vld [tilespmem:s30+$0x6B0]  }
0x1b4: {  	v17 =	vmul.f32 v17, v18;
	v18 =	vld [tilespmem:s30+$0x86B0]  }
0x1b5: {  	v16 =	vmul.f32 v16, v19;
	_ =	sdelay $0x1  }
0x1b6: {  	v16 =	vadd.f32 v16, v17;
	v17 =	vmul.f32 v21, v20;
	_ =	sdelay $0x1  }
0x1b7: {  	v16 =	vadd.f32 v17, v16;
	v17 =	vmul.f32 v18, v22;
	_ =	sdelay $0x1  }
0x1b8: {  	v16 =	vadd.f32 v17, v16;
	_ =	sdelay $0x1  }
0x1b9: {  	[tilespmem:$0x106F0] =	vst v16  }
0x1ba: {  	v16 =	vld [tilespmem:s30+$0x86C0]  }
0x1bb: {  	v17 =	vld [tilespmem:s30+$0x86D0]  }
0x1bc: {  	v18 =	vld [tilespmem:s30+$0x6C0]  }
0x1bd: {  	v19 =	vld [tilespmem:s30+$0x6D0]  }
0x1be: {  	v20 =	vld [tilespmem:s30+$0x6E0]  }
0x1bf: {  	v21 =	vld [tilespmem:s30+$0x86E0]  }
0x1c0: {  	v22 =	vld [tilespmem:s30+$0x6F0]  }
0x1c1: {  	v16 =	vmul.f32 v16, v18;
	v18 =	vld [tilespmem:s30+$0x86F0]  }
0x1c2: {  	v17 =	vmul.f32 v17, v19;
	_ =	sdelay $0x1  }
0x1c3: {  	v16 =	vadd.f32 v17, v16;
	v17 =	vmul.f32 v21, v20;
	_ =	sdelay $0x1  }
0x1c4: {  	v16 =	vadd.f32 v17, v16;
	v17 =	vmul.f32 v18, v22;
	_ =	sdelay $0x1  }
0x1c5: {  	v16 =	vadd.f32 v17, v16;
	_ =	sdelay $0x1  }
0x1c6: {  	[tilespmem:$0x10708] =	vst v16  }
0x1c7: {  	v16 =	vld [tilespmem:s30+$0x8700]  }
0x1c8: {  	v17 =	vld [tilespmem:s30+$0x8710]  }
0x1c9: {  	v18 =	vld [tilespmem:s30+$0x700]  }
0x1ca: {  	v19 =	vld [tilespmem:s30+$0x710]  }
0x1cb: {  	v20 =	vld [tilespmem:s30+$0x720]  }
0x1cc: {  	v21 =	vld [tilespmem:s30+$0x8720]  }
0x1cd: {  	v22 =	vld [tilespmem:s30+$0x730]  }
0x1ce: {  	v16 =	vmul.f32 v16, v18;
	v18 =	vld [tilespmem:s30+$0x8730]  }
0x1cf: {  	v17 =	vmul.f32 v17, v19;
	_ =	sdelay $0x1  }
0x1d0: {  	v16 =	vadd.f32 v17, v16;
	v17 =	vmul.f32 v21, v20;
	_ =	sdelay $0x1  }
0x1d1: {  	v16 =	vadd.f32 v17, v16;
	v17 =	vmul.f32 v18, v22;
	_ =	sdelay $0x1  }
0x1d2: {  	v16 =	vadd.f32 v17, v16;
	_ =	sdelay $0x1  }
0x1d3: {  	[tilespmem:$0x10720] =	vst v16  }
0x1d4: {  	v16 =	vld [tilespmem:s30+$0x8740]  }
0x1d5: {  	v17 =	vld [tilespmem:s30+$0x8750]  }
0x1d6: {  	v18 =	vld [tilespmem:s30+$0x740]  }
0x1d7: {  	v19 =	vld [tilespmem:s30+$0x750]  }
0x1d8: {  	v20 =	vld [tilespmem:s30+$0x760]  }
0x1d9: {  	v21 =	vld [tilespmem:s30+$0x8760]  }
0x1da: {  	v22 =	vld [tilespmem:s30+$0x770]  }
0x1db: {  	v16 =	vmul.f32 v16, v18;
	v18 =	vld [tilespmem:s30+$0x8770]  }
0x1dc: {  	v17 =	vmul.f32 v17, v19;
	_ =	sdelay $0x1  }
0x1dd: {  	v16 =	vadd.f32 v17, v16;
	v17 =	vmul.f32 v21, v20;
	_ =	sdelay $0x1  }
0x1de: {  	v16 =	vadd.f32 v17, v16;
	v17 =	vmul.f32 v18, v22;
	_ =	sdelay $0x1  }
0x1df: {  	v16 =	vadd.f32 v17, v16;
	_ =	sdelay $0x1  }
0x1e0: {  	[tilespmem:$0x10738] =	vst v16  }
0x1e1: {  	v16 =	vld [tilespmem:s30+$0x8780]  }
0x1e2: {  	v17 =	vld [tilespmem:s30+$0x8790]  }
0x1e3: {  	v18 =	vld [tilespmem:s30+$0x780]  }
0x1e4: {  	v19 =	vld [tilespmem:s30+$0x790]  }
0x1e5: {  	v20 =	vld [tilespmem:s30+$0x7A0]  }
0x1e6: {  	v21 =	vld [tilespmem:s30+$0x87A0]  }
0x1e7: {  	v22 =	vld [tilespmem:s30+$0x7B0]  }
0x1e8: {  	v16 =	vmul.f32 v16, v18;
	v18 =	vld [tilespmem:s30+$0x87B0]  }
0x1e9: {  	v17 =	vmul.f32 v17, v19;
	_ =	sdelay $0x1  }
0x1ea: {  	v16 =	vadd.f32 v17, v16;
	v17 =	vmul.f32 v21, v20;
	_ =	sdelay $0x1  }
0x1eb: {  	v16 =	vadd.f32 v17, v16;
	v17 =	vmul.f32 v18, v22;
	_ =	sdelay $0x1  }
0x1ec: {  	v16 =	vadd.f32 v17, v16;
	_ =	sdelay $0x1  }
0x1ed: {  	[tilespmem:$0x10750] =	vst v16  }
.Ltmp0:
0x1ee: {  	v16 =	vld [tilespmem:s30+$0x87C0];
	(pc) =	sbr.rel @p0 .LBB2_2-.Ltmp0, $4  }
0x1ef: {  	v19 =	vld [tilespmem:s30+$0x7C0]  }
0x1f0: {  	v17 =	vld [tilespmem:s30+$0x87D0]  }
0x1f1: {  	v20 =	vld [tilespmem:s30+$0x7D0]  }
0x1f2: {  	v18 =	vld [tilespmem:s30+$0x7E0]  }
0x1f3: {  	v21 =	vld [tilespmem:s30+$0x87E0]  }
0x1f4: {  	v22 =	vld [tilespmem:s30+$0x7F0]  }
0x1f5: {  	v23 =	vld [tilespmem:s30+$0x87F0]  }
0x1f6: {  	v16 =	vmul.f32 v16, v19;
	v17 =	vmul.f32 v17, v20;
	_ =	sdelay $0x1  }
0x1f7: {  	v16 =	vadd.f32 v17, v16;
	v17 =	vmul.f32 v21, v18;
	_ =	sdelay $0x1  }
0x1f8: {  	v16 =	vadd.f32 v17, v16;
	v17 =	vmul.f32 v23, v22;
	_ =	sdelay $0x1  }
0x1f9: {  	v16 =	vadd.f32 v17, v16;
	_ =	sdelay $0x1  }
0x1fa: {  	[tilespmem:$0x10768] =	vst v16  }
0x1fb: {  	v16 =	vld.idx.msk [tilespmem:v0+s26+$0x0], $0xffff  }
0x1fc: {  	v17 =	vld.idx.msk [tilespmem:v1+s26+$0x0], $0xffff;
	_ =	sdelay $0x1  }
0x1fd: {  	v54 =	vld.idx.msk [tilespmem:v2+s26+$0x0], $0xffff;
	_ =	sdelay $0x1  }
0x1fe: {  	v55 =	vld.idx.msk [tilespmem:v3+s26+$0x0], $0xffff  }
0x1ff: {  	v16 =	vadd.f32 v17, v16  }
0x200: {  	v17 =	vld.idx.msk [tilespmem:v4+s26+$0x0], $0xffff  }
0x201: {  	v16 =	vadd.f32 v54, v16  }
0x202: {  	v56 =	vld.idx.msk [tilespmem:v5+s26+$0x0], $0xffff  }
0x203: {  	v16 =	vadd.f32 v55, v16  }
0x204: {  	v57 =	vld.idx.msk [tilespmem:v6+s26+$0x0], $0xffff  }
0x205: {  	v16 =	vadd.f32 v17, v16  }
0x206: {  	v17 =	vld.idx.msk [tilespmem:v7+s26+$0x0], $0xffff  }
0x207: {  	v16 =	vadd.f32 v56, v16  }
0x208: {  	v58 =	vld.idx.msk [tilespmem:v8+s26+$0x0], $0xffff  }
0x209: {  	v16 =	vadd.f32 v57, v16  }
0x20a: {  	v59 =	vld.idx.msk [tilespmem:v9+s26+$0x0], $0xffff  }
0x20b: {  	v16 =	vadd.f32 v17, v16  }
0x20c: {  	v17 =	vld.idx.msk [tilespmem:v10+s26+$0x0], $0xffff  }
0x20d: {  	v16 =	vadd.f32 v58, v16  }
0x20e: {  	v60 =	vld.idx.msk [tilespmem:v11+s26+$0x0], $0xffff  }
0x20f: {  	v16 =	vadd.f32 v59, v16  }
0x210: {  	v61 =	vld.idx.msk [tilespmem:v12+s26+$0x0], $0xffff  }
0x211: {  	v16 =	vadd.f32 v17, v16  }
0x212: {  	v17 =	vld.idx.msk [tilespmem:v13+s26+$0x0], $0xffff  }
0x213: {  	v16 =	vadd.f32 v60, v16  }
0x214: {  	v62 =	vld.idx.msk [tilespmem:v14+s26+$0x0], $0xffff  }
0x215: {  	v16 =	vadd.f32 v61, v16  }
0x216: {  	v63 =	vld.idx.msk [tilespmem:v15+s26+$0x0], $0xffff  }
0x217: {  	v16 =	vadd.f32 v17, v16;
	_ =	sdelay $0x1  }
0x218: {  	v16 =	vadd.f32 v62, v16;
	_ =	sdelay $0x1  }
0x219: {  	s29 =	sadd.s32 $0x1, s29;
	v16 =	vadd.f32 v63, v16  }
0x21a: {  	p0 =	sne.s32 s29, s8  }
.Ltmp1:
0x21b: {  	[tilespmem:s31+$0x0] =	vst v16;
	(pc) =	sbr.rel @p0 .LBB2_1-.Ltmp1, $4  }
0x21c: {  	[hbm4b:s7+s2] =	stream.linear.scatter [tilespmem:s28], [sflag:$0x2], $0x200, $0x38;
	[tilespmem:$0x10780] =	vst v63  }
0x21d: {  	_ =	swait.ge [sflag:s9], $0x200  }
0x21e: {  	[sflag:s9] =	ssyncset.done $0x0  }
0x21f: {  	[sflag:s9] =	ssyncadd.s32 $0xFFFFFE00  }
0x220: {  	_ =	sfence.sel $0x180000  }
0x221: {  	[bflag:$0x0] =	sbarrier.arrive $0xFFFF  }
0x222: {  	_ =	strace $0x90000047  }
0x223: {  	s0 =	stileid.u32;
	[bflag:$0x2] =	sbarrier.arrive $0xFFFF  }
0x224: {  	p0 =	sne.s32 s0, $0x0;
	s0 =	rddreg [dreg:$0x3]  }
0x225: {  	s0 =	sadd.s32 @!p0 $0x100000, s0  }
0x226: {  	[sflag:s0] =	ssyncadd.tile.s32 @!p0 $0x1;
	_ =	shalt  }
.Lfunc_end2:
_tile_overlayer_lowered:
.L_overlay_start_2:
0x227: {  	(tag) =	ssettag $0x2  }
0x228: {  	s0 =	rddreg [dreg:$0x0];
	s2 =	stileid.u32  }
0x229: {  	s1 =	rddreg [dreg:$0x1];
	p0 =	sne.s32 s2, $0x0  }
0x22a: {  	s3 =	rddreg [dreg:$0x2];
	[bflag:$0x3] =	sbarrier.arrive $0xFFFF;
	s2 =	simm.s32 @!p0 $0x1C02  }
0x22b: {  	[timem:s3], [sflag:s2] =	dma.local @!p0 [hbm:s0], s1  }
0x22c: {  	s0 =	simm.s32 @!p0 $0x2  }
0x22d: {  	_ =	swait.ge @!p0 [sflag:s0], s1  }
0x22e: {  	s1 =	ssub.s32 @!p0 $0x0, s1;
	[sflag:s0] =	ssyncset.done @!p0 $0x0  }
0x22f: {  	[sflag:s0] =	ssyncadd.s32 @!p0 s1  }
0x230: {  	[bflag:$0x3] =	sbarrier.arrive $0xFFFF  }
0x231: {  	_ =	shalt  }

</sc_bundles>
